<compile_context>
chip_gen: v7x
topology: tpu7x:2x2x1
jax: 0.10.2.dev20260603
libtpu: 0.0.44.dev20260713+nightly
codegen_flags: <defaults>
</compile_context>

<pallas_src>
import functools

import jax
import jax.numpy as jnp
from jax import lax
from jax.experimental import pallas as pl
from jax.experimental.pallas import tpu as pltpu
from jax.experimental.pallas import tpu_sc as plsc

NUM_FEATURES = 128
BATCH = 16384
LANES = 16
VPF = NUM_FEATURES // LANES

NC = 2
NS = 16
NW = NC * NS
BPW = BATCH // NW
CHUNK = 128
NCHUNK = BPW // CHUNK
NBUF = 3


def _body(user, movie, ut, mt, out, idx_u, idx_m, rows_u, rows_m, acc_v, sems):
    wid = lax.axis_index("s") * NC + lax.axis_index("c")
    base = wid * BPW

    pltpu.sync_copy(user.at[pl.ds(base, CHUNK)], idx_u.at[pl.ds(0, CHUNK)])
    pltpu.sync_copy(movie.at[pl.ds(base, CHUNK)], idx_m.at[pl.ds(0, CHUNK)])

    def fire(c):
        b = c % NBUF
        s = pl.ds(c * CHUNK, CHUNK)
        pltpu.async_copy(ut.at[idx_u.at[s]], rows_u.at[b], sems.at[b])
        pltpu.async_copy(mt.at[idx_m.at[s]], rows_m.at[b], sems.at[b])

    def drain(c):
        b = c % NBUF
        pltpu.make_async_copy(ut.at[pl.ds(0, CHUNK)], rows_u.at[b],
                              sems.at[b]).wait()
        pltpu.make_async_copy(mt.at[pl.ds(0, CHUNK)], rows_m.at[b],
                              sems.at[b]).wait()

    def chunk_dot(c, total):
        b = c % NBUF
        ru, rm = rows_u.at[b], rows_m.at[b]

        def row2(k, accs):
            i = 2 * k
            accs = tuple(
                accs[j]
                + ru[i, pl.ds(j * LANES, LANES)] * rm[i, pl.ds(j * LANES, LANES)]
                for j in range(VPF)
            )
            return tuple(
                accs[j]
                + ru[i + 1, pl.ds(j * LANES, LANES)]
                * rm[i + 1, pl.ds(j * LANES, LANES)]
                for j in range(VPF)
            )

        zeros = tuple(jnp.zeros((LANES,), jnp.float32) for _ in range(VPF))
        accs = lax.fori_loop(0, CHUNK // 2, row2, zeros)
        for j in range(VPF):
            total = total + accs[j]
        return total

    fire(0)
    rest = BPW - CHUNK
    pltpu.sync_copy(user.at[pl.ds(base + CHUNK, rest)],
                    idx_u.at[pl.ds(CHUNK, rest)])
    pltpu.sync_copy(movie.at[pl.ds(base + CHUNK, rest)],
                    idx_m.at[pl.ds(CHUNK, rest)])
    for c in range(1, min(NBUF, NCHUNK)):
        fire(c)

    def step(c, total):
        drain(c)
        total = chunk_dot(c, total)

        @pl.when(c + NBUF < NCHUNK)
        def _():
            fire(c + NBUF)

        return total

    total = lax.fori_loop(0, NCHUNK, step, jnp.zeros((LANES,), jnp.float32))

    acc_v[...] = total
    pltpu.sync_copy(acc_v, out.at[wid])


@jax.jit
def _run(user, movie, ut, mt):
    mesh = plsc.VectorSubcoreMesh(core_axis_name="c", subcore_axis_name="s")
    f = functools.partial(
        pl.kernel,
        out_type=jax.ShapeDtypeStruct((NW, LANES), jnp.float32),
        mesh=mesh,
        scratch_types=[
            pltpu.VMEM((BPW,), jnp.int32),
            pltpu.VMEM((BPW,), jnp.int32),
            pltpu.VMEM((NBUF, CHUNK, NUM_FEATURES), jnp.float32),
            pltpu.VMEM((NBUF, CHUNK, NUM_FEATURES), jnp.float32),
            pltpu.VMEM((LANES,), jnp.float32),
            pltpu.SemaphoreType.DMA((NBUF,)),
        ],
    )(_body)
    partials = f(user, movie, ut, mt)
    return jnp.sum(partials)


def kernel(user, movie, user_to_feature, movie_to_feature):
    return _run(user, movie, user_to_feature, movie_to_feature)

# --- scband reference (transcript-rebuilt; emitter-appended) ---
"""Pipeline reference for scband-movie-reco-model-44452911514184 (READ-ONLY COPY).

The authoritative reference and input builder live on the scoring server;
editing this copy changes nothing except your own understanding.
"""

import jax, jax.numpy as jnp
import numpy as np

NUM_FEATURES = 128
NUM_USERS = 1000000
NUM_MOVIES = 100000
BATCH = 16384

def setup_inputs(seed: int = 0) -> dict:
    key = jax.random.key(seed)
    k_u, k_m, k_ut, k_mt = jax.random.split(key, 4)
    user = jax.random.randint(k_u, (BATCH,), 0, NUM_USERS, dtype=jnp.int64 if jax.config.jax_enable_x64 else jnp.int32).astype(jnp.int32)
    movie = jax.random.randint(k_m, (BATCH,), 0, NUM_MOVIES, dtype=jnp.int32)
    user_to_feature = jax.random.normal(k_ut, (NUM_USERS, NUM_FEATURES), dtype=jnp.float32)
    movie_to_feature = jax.random.normal(k_mt, (NUM_MOVIES, NUM_FEATURES), dtype=jnp.float32)
    return {"user": user, "movie": movie, "user_to_feature": user_to_feature, "movie_to_feature": movie_to_feature}

def reference(user, movie, user_to_feature, movie_to_feature):
    user_features = jnp.take(user_to_feature, user, axis=0)
    movie_features = jnp.take(movie_to_feature, movie, axis=0)
    return jnp.sum(user_features * movie_features)

if __name__ == "__main__":
    import jax
    _d = setup_inputs()
    print(jax.jit(kernel)(*tuple(_d.values())))

</pallas_src>

<mosaic_0001>
#map = affine_map<(d0, d1) -> (0)>
#map1 = affine_map<(d0, d1) -> (0, 0)>
module attributes {stable_mosaic.version = 14 : i64} {
  func.func @_body(%arg0: i32, %arg1: i32, %arg2: memref<16384xi32, #tpu.memory_space<hbm>>, %arg3: memref<16384xi32, #tpu.memory_space<hbm>>, %arg4: memref<1000000x128xf32, #tpu.memory_space<hbm>>, %arg5: memref<100000x128xf32, #tpu.memory_space<hbm>>, %arg6: memref<32x16xf32, #tpu.memory_space<hbm>>, %arg7: memref<512xi32, #tpu.memory_space<vmem>>, %arg8: memref<512xi32, #tpu.memory_space<vmem>>, %arg9: memref<3x128x128xf32, #tpu.memory_space<vmem>>, %arg10: memref<3x128x128xf32, #tpu.memory_space<vmem>>, %arg11: memref<16xf32, #tpu.memory_space<vmem>>, %arg12: memref<3x!tpu.dma_semaphore, #tpu.memory_space<semaphore_mem>>) attributes {dimension_semantics = [#tpu.dimension_semantics<core_parallel>, #tpu.dimension_semantics<subcore_parallel>], iteration_bounds = array<i64: 2, 16>, scalar_prefetch = 0 : i64, scratch_operands = 6 : i64, tpu.core_type = #tpu.core_type<sc_vector_subcore>, window_params = [{transform_indices = #map}, {transform_indices = #map}, {transform_indices = #map1}, {transform_indices = #map1}, {transform_indices = #map1}]} {
    %mul3A = arith.constant 2 : i32
    %mul3A_0 = arith.muli %arg1, %mul3A : i32
    %add3A = arith.addi %mul3A_0, %arg0 : i32
    %mul3A_1 = arith.constant 512 : i32
    %mul3A_2 = arith.muli %add3A, %mul3A_1 : i32
    "tpu.region"() ({
      %run_scoped3A = tpu.sem_alloc : memref<!tpu.dma_semaphore, #tpu.memory_space<semaphore_mem>>
      %dma_start3A_93 = arith.constant 0 : i32
      %dma_start3A_94 = tpu.memref_slice %arg7[%dma_start3A_93] : memref<512xi32, #tpu.memory_space<vmem>> -> memref<128xi32, #tpu.memory_space<vmem>>
      %dma_start3A_95 = tpu.memref_slice %arg2[%mul3A_2] : memref<16384xi32, #tpu.memory_space<hbm>> -> memref<128xi32, #tpu.memory_space<hbm>>
      %dma_start3A_96 = arith.constant 0 : i32
      %dma_start3A_97 = tpu.memref_slice %arg7[%dma_start3A_96] : memref<512xi32, #tpu.memory_space<vmem>> -> memref<128xi32, #tpu.memory_space<vmem>>
      %dma_start3A_98 = tpu.memref_slice %arg2[%mul3A_2] : memref<16384xi32, #tpu.memory_space<hbm>> -> memref<128xi32, #tpu.memory_space<hbm>>
      tpu.enqueue_dma source(%dma_start3A_98 : memref<128xi32, #tpu.memory_space<hbm>>) target(%dma_start3A_97 : memref<128xi32, #tpu.memory_space<vmem>>) target_semaphore(%run_scoped3A : memref<!tpu.dma_semaphore, #tpu.memory_space<semaphore_mem>>)
      %dma_wait3A = arith.constant 0 : i32
      %dma_wait3A_99 = tpu.memref_slice %arg7[%dma_wait3A] : memref<512xi32, #tpu.memory_space<vmem>> -> memref<128xi32, #tpu.memory_space<vmem>>
      %dma_wait3A_100 = tpu.memref_slice %arg2[%mul3A_2] : memref<16384xi32, #tpu.memory_space<hbm>> -> memref<128xi32, #tpu.memory_space<hbm>>
      %dma_wait3A_101 = arith.constant 0 : i32
      %dma_wait3A_102 = tpu.memref_slice %arg7[%dma_wait3A_101] : memref<512xi32, #tpu.memory_space<vmem>> -> memref<128xi32, #tpu.memory_space<vmem>>
      %dma_wait3A_103 = tpu.memref_slice %arg2[%mul3A_2] : memref<16384xi32, #tpu.memory_space<hbm>> -> memref<128xi32, #tpu.memory_space<hbm>>
      tpu.wait_dma2 semaphore(%run_scoped3A : memref<!tpu.dma_semaphore, #tpu.memory_space<semaphore_mem>>) src(%dma_wait3A_103 : memref<128xi32, #tpu.memory_space<hbm>>) dst(%dma_wait3A_102 : memref<128xi32, #tpu.memory_space<vmem>>)
      tpu.yield
    }) : () -> ()
    "tpu.region"() ({
      %run_scoped3A = tpu.sem_alloc : memref<!tpu.dma_semaphore, #tpu.memory_space<semaphore_mem>>
      %dma_start3A_93 = arith.constant 0 : i32
      %dma_start3A_94 = tpu.memref_slice %arg8[%dma_start3A_93] : memref<512xi32, #tpu.memory_space<vmem>> -> memref<128xi32, #tpu.memory_space<vmem>>
      %dma_start3A_95 = tpu.memref_slice %arg3[%mul3A_2] : memref<16384xi32, #tpu.memory_space<hbm>> -> memref<128xi32, #tpu.memory_space<hbm>>
      %dma_start3A_96 = arith.constant 0 : i32
      %dma_start3A_97 = tpu.memref_slice %arg8[%dma_start3A_96] : memref<512xi32, #tpu.memory_space<vmem>> -> memref<128xi32, #tpu.memory_space<vmem>>
      %dma_start3A_98 = tpu.memref_slice %arg3[%mul3A_2] : memref<16384xi32, #tpu.memory_space<hbm>> -> memref<128xi32, #tpu.memory_space<hbm>>
      tpu.enqueue_dma source(%dma_start3A_98 : memref<128xi32, #tpu.memory_space<hbm>>) target(%dma_start3A_97 : memref<128xi32, #tpu.memory_space<vmem>>) target_semaphore(%run_scoped3A : memref<!tpu.dma_semaphore, #tpu.memory_space<semaphore_mem>>)
      %dma_wait3A = arith.constant 0 : i32
      %dma_wait3A_99 = tpu.memref_slice %arg8[%dma_wait3A] : memref<512xi32, #tpu.memory_space<vmem>> -> memref<128xi32, #tpu.memory_space<vmem>>
      %dma_wait3A_100 = tpu.memref_slice %arg3[%mul3A_2] : memref<16384xi32, #tpu.memory_space<hbm>> -> memref<128xi32, #tpu.memory_space<hbm>>
      %dma_wait3A_101 = arith.constant 0 : i32
      %dma_wait3A_102 = tpu.memref_slice %arg8[%dma_wait3A_101] : memref<512xi32, #tpu.memory_space<vmem>> -> memref<128xi32, #tpu.memory_space<vmem>>
      %dma_wait3A_103 = tpu.memref_slice %arg3[%mul3A_2] : memref<16384xi32, #tpu.memory_space<hbm>> -> memref<128xi32, #tpu.memory_space<hbm>>
      tpu.wait_dma2 semaphore(%run_scoped3A : memref<!tpu.dma_semaphore, #tpu.memory_space<semaphore_mem>>) src(%dma_wait3A_103 : memref<128xi32, #tpu.memory_space<hbm>>) dst(%dma_wait3A_102 : memref<128xi32, #tpu.memory_space<vmem>>)
      tpu.yield
    }) : () -> ()
    %dma_start3A = arith.constant 0 : i32
    %dma_start3A_3 = arith.constant 0 : i32
    %dma_start3A_4 = arith.constant 0 : i32
    %dma_start3A_5 = arith.constant 0 : i32
    %dma_start3A_6 = tpu.memref_slice %arg9[%dma_start3A, %dma_start3A_4, %dma_start3A_5] : memref<3x128x128xf32, #tpu.memory_space<vmem>> -> memref<1x128x128xf32, #tpu.memory_space<vmem>>
    %dma_start3A_7 = tpu.memref_squeeze %dma_start3A_6 : memref<1x128x128xf32, #tpu.memory_space<vmem>> -> memref<128x128xf32, #tpu.memory_space<vmem>>
    %dma_start3A_8 = arith.constant 0 : i32
    %dma_start3A_9 = tpu.memref_slice %arg7[%dma_start3A_8] : memref<512xi32, #tpu.memory_space<vmem>> -> memref<128xi32, #tpu.memory_space<vmem>>
    %dma_start3A_10 = arith.constant 0 : i32
    %dma_start3A_11 = arith.constant 0 : i32
    %dma_start3A_12 = tpu.memref_slice %arg4[%dma_start3A_10, %dma_start3A_11] : memref<1000000x128xf32, #tpu.memory_space<hbm>> -> memref<1000000x128xf32, #tpu.memory_space<hbm>>
    %dma_start3A_13 = tpu.memref_slice %arg12[%dma_start3A_3] : memref<3x!tpu.dma_semaphore, #tpu.memory_space<semaphore_mem>> -> memref<1x!tpu.dma_semaphore, #tpu.memory_space<semaphore_mem>>
    %dma_start3A_14 = tpu.memref_squeeze %dma_start3A_13 : memref<1x!tpu.dma_semaphore, #tpu.memory_space<semaphore_mem>> -> memref<!tpu.dma_semaphore, #tpu.memory_space<semaphore_mem>>
    tpu.enqueue_indirect_dma source(%dma_start3A_12 : memref<1000000x128xf32, #tpu.memory_space<hbm>>) target(%dma_start3A_7 : memref<128x128xf32, #tpu.memory_space<vmem>>) offsets(%dma_start3A_9 : memref<128xi32, #tpu.memory_space<vmem>>) semaphore(%dma_start3A_14 : memref<!tpu.dma_semaphore, #tpu.memory_space<semaphore_mem>>)
    %dma_start3A_15 = arith.constant 0 : i32
    %dma_start3A_16 = arith.constant 0 : i32
    %dma_start3A_17 = arith.constant 0 : i32
    %dma_start3A_18 = arith.constant 0 : i32
    %dma_start3A_19 = tpu.memref_slice %arg10[%dma_start3A_15, %dma_start3A_17, %dma_start3A_18] : memref<3x128x128xf32, #tpu.memory_space<vmem>> -> memref<1x128x128xf32, #tpu.memory_space<vmem>>
    %dma_start3A_20 = tpu.memref_squeeze %dma_start3A_19 : memref<1x128x128xf32, #tpu.memory_space<vmem>> -> memref<128x128xf32, #tpu.memory_space<vmem>>
    %dma_start3A_21 = arith.constant 0 : i32
    %dma_start3A_22 = tpu.memref_slice %arg8[%dma_start3A_21] : memref<512xi32, #tpu.memory_space<vmem>> -> memref<128xi32, #tpu.memory_space<vmem>>
    %dma_start3A_23 = arith.constant 0 : i32
    %dma_start3A_24 = arith.constant 0 : i32
    %dma_start3A_25 = tpu.memref_slice %arg5[%dma_start3A_23, %dma_start3A_24] : memref<100000x128xf32, #tpu.memory_space<hbm>> -> memref<100000x128xf32, #tpu.memory_space<hbm>>
    %dma_start3A_26 = tpu.memref_slice %arg12[%dma_start3A_16] : memref<3x!tpu.dma_semaphore, #tpu.memory_space<semaphore_mem>> -> memref<1x!tpu.dma_semaphore, #tpu.memory_space<semaphore_mem>>
    %dma_start3A_27 = tpu.memref_squeeze %dma_start3A_26 : memref<1x!tpu.dma_semaphore, #tpu.memory_space<semaphore_mem>> -> memref<!tpu.dma_semaphore, #tpu.memory_space<semaphore_mem>>
    tpu.enqueue_indirect_dma source(%dma_start3A_25 : memref<100000x128xf32, #tpu.memory_space<hbm>>) target(%dma_start3A_20 : memref<128x128xf32, #tpu.memory_space<vmem>>) offsets(%dma_start3A_22 : memref<128xi32, #tpu.memory_space<vmem>>) semaphore(%dma_start3A_27 : memref<!tpu.dma_semaphore, #tpu.memory_space<semaphore_mem>>)
    %add3A_28 = arith.constant 128 : i32
    %add3A_29 = arith.addi %mul3A_2, %add3A_28 : i32
    "tpu.region"() ({
      %run_scoped3A = tpu.sem_alloc : memref<!tpu.dma_semaphore, #tpu.memory_space<semaphore_mem>>
      %dma_start3A_93 = arith.constant 128 : i32
      %dma_start3A_94 = tpu.memref_slice %arg7[%dma_start3A_93] : memref<512xi32, #tpu.memory_space<vmem>> -> memref<384xi32, #tpu.memory_space<vmem>>
      %dma_start3A_95 = tpu.memref_slice %arg2[%add3A_29] : memref<16384xi32, #tpu.memory_space<hbm>> -> memref<384xi32, #tpu.memory_space<hbm>>
      %dma_start3A_96 = arith.constant 128 : i32
      %dma_start3A_97 = tpu.memref_slice %arg7[%dma_start3A_96] : memref<512xi32, #tpu.memory_space<vmem>> -> memref<384xi32, #tpu.memory_space<vmem>>
      %dma_start3A_98 = tpu.memref_slice %arg2[%add3A_29] : memref<16384xi32, #tpu.memory_space<hbm>> -> memref<384xi32, #tpu.memory_space<hbm>>
      tpu.enqueue_dma source(%dma_start3A_98 : memref<384xi32, #tpu.memory_space<hbm>>) target(%dma_start3A_97 : memref<384xi32, #tpu.memory_space<vmem>>) target_semaphore(%run_scoped3A : memref<!tpu.dma_semaphore, #tpu.memory_space<semaphore_mem>>)
      %dma_wait3A = arith.constant 128 : i32
      %dma_wait3A_99 = tpu.memref_slice %arg7[%dma_wait3A] : memref<512xi32, #tpu.memory_space<vmem>> -> memref<384xi32, #tpu.memory_space<vmem>>
      %dma_wait3A_100 = tpu.memref_slice %arg2[%add3A_29] : memref<16384xi32, #tpu.memory_space<hbm>> -> memref<384xi32, #tpu.memory_space<hbm>>
      %dma_wait3A_101 = arith.constant 128 : i32
      %dma_wait3A_102 = tpu.memref_slice %arg7[%dma_wait3A_101] : memref<512xi32, #tpu.memory_space<vmem>> -> memref<384xi32, #tpu.memory_space<vmem>>
      %dma_wait3A_103 = tpu.memref_slice %arg2[%add3A_29] : memref<16384xi32, #tpu.memory_space<hbm>> -> memref<384xi32, #tpu.memory_space<hbm>>
      tpu.wait_dma2 semaphore(%run_scoped3A : memref<!tpu.dma_semaphore, #tpu.memory_space<semaphore_mem>>) src(%dma_wait3A_103 : memref<384xi32, #tpu.memory_space<hbm>>) dst(%dma_wait3A_102 : memref<384xi32, #tpu.memory_space<vmem>>)
      tpu.yield
    }) : () -> ()
    %add3A_30 = arith.constant 128 : i32
    %add3A_31 = arith.addi %mul3A_2, %add3A_30 : i32
    "tpu.region"() ({
      %run_scoped3A = tpu.sem_alloc : memref<!tpu.dma_semaphore, #tpu.memory_space<semaphore_mem>>
      %dma_start3A_93 = arith.constant 128 : i32
      %dma_start3A_94 = tpu.memref_slice %arg8[%dma_start3A_93] : memref<512xi32, #tpu.memory_space<vmem>> -> memref<384xi32, #tpu.memory_space<vmem>>
      %dma_start3A_95 = tpu.memref_slice %arg3[%add3A_31] : memref<16384xi32, #tpu.memory_space<hbm>> -> memref<384xi32, #tpu.memory_space<hbm>>
      %dma_start3A_96 = arith.constant 128 : i32
      %dma_start3A_97 = tpu.memref_slice %arg8[%dma_start3A_96] : memref<512xi32, #tpu.memory_space<vmem>> -> memref<384xi32, #tpu.memory_space<vmem>>
      %dma_start3A_98 = tpu.memref_slice %arg3[%add3A_31] : memref<16384xi32, #tpu.memory_space<hbm>> -> memref<384xi32, #tpu.memory_space<hbm>>
      tpu.enqueue_dma source(%dma_start3A_98 : memref<384xi32, #tpu.memory_space<hbm>>) target(%dma_start3A_97 : memref<384xi32, #tpu.memory_space<vmem>>) target_semaphore(%run_scoped3A : memref<!tpu.dma_semaphore, #tpu.memory_space<semaphore_mem>>)
      %dma_wait3A = arith.constant 128 : i32
      %dma_wait3A_99 = tpu.memref_slice %arg8[%dma_wait3A] : memref<512xi32, #tpu.memory_space<vmem>> -> memref<384xi32, #tpu.memory_space<vmem>>
      %dma_wait3A_100 = tpu.memref_slice %arg3[%add3A_31] : memref<16384xi32, #tpu.memory_space<hbm>> -> memref<384xi32, #tpu.memory_space<hbm>>
      %dma_wait3A_101 = arith.constant 128 : i32
      %dma_wait3A_102 = tpu.memref_slice %arg8[%dma_wait3A_101] : memref<512xi32, #tpu.memory_space<vmem>> -> memref<384xi32, #tpu.memory_space<vmem>>
      %dma_wait3A_103 = tpu.memref_slice %arg3[%add3A_31] : memref<16384xi32, #tpu.memory_space<hbm>> -> memref<384xi32, #tpu.memory_space<hbm>>
      tpu.wait_dma2 semaphore(%run_scoped3A : memref<!tpu.dma_semaphore, #tpu.memory_space<semaphore_mem>>) src(%dma_wait3A_103 : memref<384xi32, #tpu.memory_space<hbm>>) dst(%dma_wait3A_102 : memref<384xi32, #tpu.memory_space<vmem>>)
      tpu.yield
    }) : () -> ()
    %dma_start3A_32 = arith.constant 1 : i32
    %dma_start3A_33 = arith.constant 1 : i32
    %dma_start3A_34 = arith.constant 0 : i32
    %dma_start3A_35 = arith.constant 0 : i32
    %dma_start3A_36 = tpu.memref_slice %arg9[%dma_start3A_32, %dma_start3A_34, %dma_start3A_35] : memref<3x128x128xf32, #tpu.memory_space<vmem>> -> memref<1x128x128xf32, #tpu.memory_space<vmem>>
    %dma_start3A_37 = tpu.memref_squeeze %dma_start3A_36 : memref<1x128x128xf32, #tpu.memory_space<vmem>> -> memref<128x128xf32, #tpu.memory_space<vmem>>
    %dma_start3A_38 = arith.constant 128 : i32
    %dma_start3A_39 = tpu.memref_slice %arg7[%dma_start3A_38] : memref<512xi32, #tpu.memory_space<vmem>> -> memref<128xi32, #tpu.memory_space<vmem>>
    %dma_start3A_40 = arith.constant 0 : i32
    %dma_start3A_41 = arith.constant 0 : i32
    %dma_start3A_42 = tpu.memref_slice %arg4[%dma_start3A_40, %dma_start3A_41] : memref<1000000x128xf32, #tpu.memory_space<hbm>> -> memref<1000000x128xf32, #tpu.memory_space<hbm>>
    %dma_start3A_43 = tpu.memref_slice %arg12[%dma_start3A_33] : memref<3x!tpu.dma_semaphore, #tpu.memory_space<semaphore_mem>> -> memref<1x!tpu.dma_semaphore, #tpu.memory_space<semaphore_mem>>
    %dma_start3A_44 = tpu.memref_squeeze %dma_start3A_43 : memref<1x!tpu.dma_semaphore, #tpu.memory_space<semaphore_mem>> -> memref<!tpu.dma_semaphore, #tpu.memory_space<semaphore_mem>>
    tpu.enqueue_indirect_dma source(%dma_start3A_42 : memref<1000000x128xf32, #tpu.memory_space<hbm>>) target(%dma_start3A_37 : memref<128x128xf32, #tpu.memory_space<vmem>>) offsets(%dma_start3A_39 : memref<128xi32, #tpu.memory_space<vmem>>) semaphore(%dma_start3A_44 : memref<!tpu.dma_semaphore, #tpu.memory_space<semaphore_mem>>)
    %dma_start3A_45 = arith.constant 1 : i32
    %dma_start3A_46 = arith.constant 1 : i32
    %dma_start3A_47 = arith.constant 0 : i32
    %dma_start3A_48 = arith.constant 0 : i32
    %dma_start3A_49 = tpu.memref_slice %arg10[%dma_start3A_45, %dma_start3A_47, %dma_start3A_48] : memref<3x128x128xf32, #tpu.memory_space<vmem>> -> memref<1x128x128xf32, #tpu.memory_space<vmem>>
    %dma_start3A_50 = tpu.memref_squeeze %dma_start3A_49 : memref<1x128x128xf32, #tpu.memory_space<vmem>> -> memref<128x128xf32, #tpu.memory_space<vmem>>
    %dma_start3A_51 = arith.constant 128 : i32
    %dma_start3A_52 = tpu.memref_slice %arg8[%dma_start3A_51] : memref<512xi32, #tpu.memory_space<vmem>> -> memref<128xi32, #tpu.memory_space<vmem>>
    %dma_start3A_53 = arith.constant 0 : i32
    %dma_start3A_54 = arith.constant 0 : i32
    %dma_start3A_55 = tpu.memref_slice %arg5[%dma_start3A_53, %dma_start3A_54] : memref<100000x128xf32, #tpu.memory_space<hbm>> -> memref<100000x128xf32, #tpu.memory_space<hbm>>
    %dma_start3A_56 = tpu.memref_slice %arg12[%dma_start3A_46] : memref<3x!tpu.dma_semaphore, #tpu.memory_space<semaphore_mem>> -> memref<1x!tpu.dma_semaphore, #tpu.memory_space<semaphore_mem>>
    %dma_start3A_57 = tpu.memref_squeeze %dma_start3A_56 : memref<1x!tpu.dma_semaphore, #tpu.memory_space<semaphore_mem>> -> memref<!tpu.dma_semaphore, #tpu.memory_space<semaphore_mem>>
    tpu.enqueue_indirect_dma source(%dma_start3A_55 : memref<100000x128xf32, #tpu.memory_space<hbm>>) target(%dma_start3A_50 : memref<128x128xf32, #tpu.memory_space<vmem>>) offsets(%dma_start3A_52 : memref<128xi32, #tpu.memory_space<vmem>>) semaphore(%dma_start3A_57 : memref<!tpu.dma_semaphore, #tpu.memory_space<semaphore_mem>>)
    %dma_start3A_58 = arith.constant 2 : i32
    %dma_start3A_59 = arith.constant 2 : i32
    %dma_start3A_60 = arith.constant 0 : i32
    %dma_start3A_61 = arith.constant 0 : i32
    %dma_start3A_62 = tpu.memref_slice %arg9[%dma_start3A_58, %dma_start3A_60, %dma_start3A_61] : memref<3x128x128xf32, #tpu.memory_space<vmem>> -> memref<1x128x128xf32, #tpu.memory_space<vmem>>
    %dma_start3A_63 = tpu.memref_squeeze %dma_start3A_62 : memref<1x128x128xf32, #tpu.memory_space<vmem>> -> memref<128x128xf32, #tpu.memory_space<vmem>>
    %dma_start3A_64 = arith.constant 256 : i32
    %dma_start3A_65 = tpu.memref_slice %arg7[%dma_start3A_64] : memref<512xi32, #tpu.memory_space<vmem>> -> memref<128xi32, #tpu.memory_space<vmem>>
    %dma_start3A_66 = arith.constant 0 : i32
    %dma_start3A_67 = arith.constant 0 : i32
    %dma_start3A_68 = tpu.memref_slice %arg4[%dma_start3A_66, %dma_start3A_67] : memref<1000000x128xf32, #tpu.memory_space<hbm>> -> memref<1000000x128xf32, #tpu.memory_space<hbm>>
    %dma_start3A_69 = tpu.memref_slice %arg12[%dma_start3A_59] : memref<3x!tpu.dma_semaphore, #tpu.memory_space<semaphore_mem>> -> memref<1x!tpu.dma_semaphore, #tpu.memory_space<semaphore_mem>>
    %dma_start3A_70 = tpu.memref_squeeze %dma_start3A_69 : memref<1x!tpu.dma_semaphore, #tpu.memory_space<semaphore_mem>> -> memref<!tpu.dma_semaphore, #tpu.memory_space<semaphore_mem>>
    tpu.enqueue_indirect_dma source(%dma_start3A_68 : memref<1000000x128xf32, #tpu.memory_space<hbm>>) target(%dma_start3A_63 : memref<128x128xf32, #tpu.memory_space<vmem>>) offsets(%dma_start3A_65 : memref<128xi32, #tpu.memory_space<vmem>>) semaphore(%dma_start3A_70 : memref<!tpu.dma_semaphore, #tpu.memory_space<semaphore_mem>>)
    %dma_start3A_71 = arith.constant 2 : i32
    %dma_start3A_72 = arith.constant 2 : i32
    %dma_start3A_73 = arith.constant 0 : i32
    %dma_start3A_74 = arith.constant 0 : i32
    %dma_start3A_75 = tpu.memref_slice %arg10[%dma_start3A_71, %dma_start3A_73, %dma_start3A_74] : memref<3x128x128xf32, #tpu.memory_space<vmem>> -> memref<1x128x128xf32, #tpu.memory_space<vmem>>
    %dma_start3A_76 = tpu.memref_squeeze %dma_start3A_75 : memref<1x128x128xf32, #tpu.memory_space<vmem>> -> memref<128x128xf32, #tpu.memory_space<vmem>>
    %dma_start3A_77 = arith.constant 256 : i32
    %dma_start3A_78 = tpu.memref_slice %arg8[%dma_start3A_77] : memref<512xi32, #tpu.memory_space<vmem>> -> memref<128xi32, #tpu.memory_space<vmem>>
    %dma_start3A_79 = arith.constant 0 : i32
    %dma_start3A_80 = arith.constant 0 : i32
    %dma_start3A_81 = tpu.memref_slice %arg5[%dma_start3A_79, %dma_start3A_80] : memref<100000x128xf32, #tpu.memory_space<hbm>> -> memref<100000x128xf32, #tpu.memory_space<hbm>>
    %dma_start3A_82 = tpu.memref_slice %arg12[%dma_start3A_72] : memref<3x!tpu.dma_semaphore, #tpu.memory_space<semaphore_mem>> -> memref<1x!tpu.dma_semaphore, #tpu.memory_space<semaphore_mem>>
    %dma_start3A_83 = tpu.memref_squeeze %dma_start3A_82 : memref<1x!tpu.dma_semaphore, #tpu.memory_space<semaphore_mem>> -> memref<!tpu.dma_semaphore, #tpu.memory_space<semaphore_mem>>
    tpu.enqueue_indirect_dma source(%dma_start3A_81 : memref<100000x128xf32, #tpu.memory_space<hbm>>) target(%dma_start3A_76 : memref<128x128xf32, #tpu.memory_space<vmem>>) offsets(%dma_start3A_78 : memref<128xi32, #tpu.memory_space<vmem>>) semaphore(%dma_start3A_83 : memref<!tpu.dma_semaphore, #tpu.memory_space<semaphore_mem>>)
    %broadcast_in_dim3A = arith.constant 0.000000e+00 : f32
    %broadcast_in_dim3A_84 = vector.broadcast %broadcast_in_dim3A : f32 to vector<16xf32>
    %scan3A = arith.constant 0 : i32
    %scan3A_85 = arith.constant 4 : i32
    %scan3A_86 = arith.addi %scan3A, %scan3A_85 : i32
    %scan3A_87 = arith.constant 1 : i32
    %scan3A_88 = scf.for %scan3A_93 = %scan3A to %scan3A_86 step %scan3A_87 iter_args(%scan3A_94 = %broadcast_in_dim3A_84) -> (vector<16xf32>)  : i32 {
      %jit3A = arith.constant 3 : i32
      %eq3A = arith.constant 0 : i32
      %eq3A_95 = arith.cmpi eq, %jit3A, %eq3A : i32
      %jit3A_96 = arith.constant 1 : i32
      %select_n3A = arith.select %eq3A_95, %jit3A_96, %jit3A : i32
      %rem3A = arith.remsi %scan3A_93, %select_n3A : i32
      %ne3A = arith.constant 0 : i32
      %ne3A_97 = arith.cmpi ne, %rem3A, %ne3A : i32
      %lt3A = arith.constant 0 : i32
      %lt3A_98 = arith.cmpi slt, %rem3A, %lt3A : i32
      %lt3A_99 = arith.constant 0 : i32
      %lt3A_100 = arith.cmpi slt, %select_n3A, %lt3A_99 : i32
      %ne3A_101 = arith.xori %lt3A_98, %lt3A_100 : i1
      %and3A = arith.andi %ne3A_101, %ne3A_97 : i1
      %add3A_102 = arith.addi %rem3A, %select_n3A : i32
      %select_n3A_103 = arith.select %and3A, %add3A_102, %rem3A : i32
      %dma_wait3A = arith.constant 0 : i32
      %dma_wait3A_104 = arith.constant 0 : i32
      %dma_wait3A_105 = tpu.memref_slice %arg9[%select_n3A_103, %dma_wait3A, %dma_wait3A_104] : memref<3x128x128xf32, #tpu.memory_space<vmem>> -> memref<1x128x128xf32, #tpu.memory_space<vmem>>
      %dma_wait3A_106 = tpu.memref_squeeze %dma_wait3A_105 : memref<1x128x128xf32, #tpu.memory_space<vmem>> -> memref<128x128xf32, #tpu.memory_space<vmem>>
      %dma_wait3A_107 = arith.constant 0 : i32
      %dma_wait3A_108 = arith.constant 0 : i32
      %dma_wait3A_109 = tpu.memref_slice %arg4[%dma_wait3A_107, %dma_wait3A_108] : memref<1000000x128xf32, #tpu.memory_space<hbm>> -> memref<128x128xf32, #tpu.memory_space<hbm>>
      %dma_wait3A_110 = tpu.memref_slice %arg12[%select_n3A_103] : memref<3x!tpu.dma_semaphore, #tpu.memory_space<semaphore_mem>> -> memref<1x!tpu.dma_semaphore, #tpu.memory_space<semaphore_mem>>
      %dma_wait3A_111 = tpu.memref_squeeze %dma_wait3A_110 : memref<1x!tpu.dma_semaphore, #tpu.memory_space<semaphore_mem>> -> memref<!tpu.dma_semaphore, #tpu.memory_space<semaphore_mem>>
      %dma_wait3A_112 = arith.constant 0 : i32
      %dma_wait3A_113 = arith.constant 0 : i32
      %dma_wait3A_114 = tpu.memref_slice %arg9[%select_n3A_103, %dma_wait3A_112, %dma_wait3A_113] : memref<3x128x128xf32, #tpu.memory_space<vmem>> -> memref<1x128x128xf32, #tpu.memory_space<vmem>>
      %dma_wait3A_115 = tpu.memref_squeeze %dma_wait3A_114 : memref<1x128x128xf32, #tpu.memory_space<vmem>> -> memref<128x128xf32, #tpu.memory_space<vmem>>
      %dma_wait3A_116 = arith.constant 0 : i32
      %dma_wait3A_117 = arith.constant 0 : i32
      %dma_wait3A_118 = tpu.memref_slice %arg4[%dma_wait3A_116, %dma_wait3A_117] : memref<1000000x128xf32, #tpu.memory_space<hbm>> -> memref<128x128xf32, #tpu.memory_space<hbm>>
      tpu.wait_dma2 semaphore(%dma_wait3A_111 : memref<!tpu.dma_semaphore, #tpu.memory_space<semaphore_mem>>) src(%dma_wait3A_118 : memref<128x128xf32, #tpu.memory_space<hbm>>) dst(%dma_wait3A_115 : memref<128x128xf32, #tpu.memory_space<vmem>>)
      %dma_wait3A_119 = arith.constant 0 : i32
      %dma_wait3A_120 = arith.constant 0 : i32
      %dma_wait3A_121 = tpu.memref_slice %arg10[%select_n3A_103, %dma_wait3A_119, %dma_wait3A_120] : memref<3x128x128xf32, #tpu.memory_space<vmem>> -> memref<1x128x128xf32, #tpu.memory_space<vmem>>
      %dma_wait3A_122 = tpu.memref_squeeze %dma_wait3A_121 : memref<1x128x128xf32, #tpu.memory_space<vmem>> -> memref<128x128xf32, #tpu.memory_space<vmem>>
      %dma_wait3A_123 = arith.constant 0 : i32
      %dma_wait3A_124 = arith.constant 0 : i32
      %dma_wait3A_125 = tpu.memref_slice %arg5[%dma_wait3A_123, %dma_wait3A_124] : memref<100000x128xf32, #tpu.memory_space<hbm>> -> memref<128x128xf32, #tpu.memory_space<hbm>>
      %dma_wait3A_126 = tpu.memref_slice %arg12[%select_n3A_103] : memref<3x!tpu.dma_semaphore, #tpu.memory_space<semaphore_mem>> -> memref<1x!tpu.dma_semaphore, #tpu.memory_space<semaphore_mem>>
      %dma_wait3A_127 = tpu.memref_squeeze %dma_wait3A_126 : memref<1x!tpu.dma_semaphore, #tpu.memory_space<semaphore_mem>> -> memref<!tpu.dma_semaphore, #tpu.memory_space<semaphore_mem>>
      %dma_wait3A_128 = arith.constant 0 : i32
      %dma_wait3A_129 = arith.constant 0 : i32
      %dma_wait3A_130 = tpu.memref_slice %arg10[%select_n3A_103, %dma_wait3A_128, %dma_wait3A_129] : memref<3x128x128xf32, #tpu.memory_space<vmem>> -> memref<1x128x128xf32, #tpu.memory_space<vmem>>
      %dma_wait3A_131 = tpu.memref_squeeze %dma_wait3A_130 : memref<1x128x128xf32, #tpu.memory_space<vmem>> -> memref<128x128xf32, #tpu.memory_space<vmem>>
      %dma_wait3A_132 = arith.constant 0 : i32
      %dma_wait3A_133 = arith.constant 0 : i32
      %dma_wait3A_134 = tpu.memref_slice %arg5[%dma_wait3A_132, %dma_wait3A_133] : memref<100000x128xf32, #tpu.memory_space<hbm>> -> memref<128x128xf32, #tpu.memory_space<hbm>>
      tpu.wait_dma2 semaphore(%dma_wait3A_127 : memref<!tpu.dma_semaphore, #tpu.memory_space<semaphore_mem>>) src(%dma_wait3A_134 : memref<128x128xf32, #tpu.memory_space<hbm>>) dst(%dma_wait3A_131 : memref<128x128xf32, #tpu.memory_space<vmem>>)
      %jit3A_135 = arith.constant 3 : i32
      %eq3A_136 = arith.constant 0 : i32
      %eq3A_137 = arith.cmpi eq, %jit3A_135, %eq3A_136 : i32
      %jit3A_138 = arith.constant 1 : i32
      %select_n3A_139 = arith.select %eq3A_137, %jit3A_138, %jit3A_135 : i32
      %rem3A_140 = arith.remsi %scan3A_93, %select_n3A_139 : i32
      %ne3A_141 = arith.constant 0 : i32
      %ne3A_142 = arith.cmpi ne, %rem3A_140, %ne3A_141 : i32
      %lt3A_143 = arith.constant 0 : i32
      %lt3A_144 = arith.cmpi slt, %rem3A_140, %lt3A_143 : i32
      %lt3A_145 = arith.constant 0 : i32
      %lt3A_146 = arith.cmpi slt, %select_n3A_139, %lt3A_145 : i32
      %ne3A_147 = arith.xori %lt3A_144, %lt3A_146 : i1
      %and3A_148 = arith.andi %ne3A_147, %ne3A_142 : i1
      %add3A_149 = arith.addi %rem3A_140, %select_n3A_139 : i32
      %select_n3A_150 = arith.select %and3A_148, %add3A_149, %rem3A_140 : i32
      %broadcast_in_dim3A_151 = arith.constant 0.000000e+00 : f32
      %broadcast_in_dim3A_152 = vector.broadcast %broadcast_in_dim3A_151 : f32 to vector<16xf32>
      %broadcast_in_dim3A_153 = arith.constant 0.000000e+00 : f32
      %broadcast_in_dim3A_154 = vector.broadcast %broadcast_in_dim3A_153 : f32 to vector<16xf32>
      %broadcast_in_dim3A_155 = arith.constant 0.000000e+00 : f32
      %broadcast_in_dim3A_156 = vector.broadcast %broadcast_in_dim3A_155 : f32 to vector<16xf32>
      %broadcast_in_dim3A_157 = arith.constant 0.000000e+00 : f32
      %broadcast_in_dim3A_158 = vector.broadcast %broadcast_in_dim3A_157 : f32 to vector<16xf32>
      %broadcast_in_dim3A_159 = arith.constant 0.000000e+00 : f32
      %broadcast_in_dim3A_160 = vector.broadcast %broadcast_in_dim3A_159 : f32 to vector<16xf32>
      %broadcast_in_dim3A_161 = arith.constant 0.000000e+00 : f32
      %broadcast_in_dim3A_162 = vector.broadcast %broadcast_in_dim3A_161 : f32 to vector<16xf32>
      %broadcast_in_dim3A_163 = arith.constant 0.000000e+00 : f32
      %broadcast_in_dim3A_164 = vector.broadcast %broadcast_in_dim3A_163 : f32 to vector<16xf32>
      %broadcast_in_dim3A_165 = arith.constant 0.000000e+00 : f32
      %broadcast_in_dim3A_166 = vector.broadcast %broadcast_in_dim3A_165 : f32 to vector<16xf32>
      %scan3A_167 = arith.constant 0 : i32
      %scan3A_168 = arith.constant 64 : i32
      %scan3A_169 = arith.addi %scan3A_167, %scan3A_168 : i32
      %scan3A_170 = arith.constant 1 : i32
      %scan3A_171:8 = scf.for %scan3A_186 = %scan3A_167 to %scan3A_169 step %scan3A_170 iter_args(%scan3A_187 = %broadcast_in_dim3A_152, %scan3A_188 = %broadcast_in_dim3A_154, %scan3A_189 = %broadcast_in_dim3A_156, %scan3A_190 = %broadcast_in_dim3A_158, %scan3A_191 = %broadcast_in_dim3A_160, %scan3A_192 = %broadcast_in_dim3A_162, %scan3A_193 = %broadcast_in_dim3A_164, %scan3A_194 = %broadcast_in_dim3A_166) -> (vector<16xf32>, vector<16xf32>, vector<16xf32>, vector<16xf32>, vector<16xf32>, vector<16xf32>, vector<16xf32>, vector<16xf32>)  : i32 {
        %mul3A_195 = arith.constant 2 : i32
        %mul3A_196 = arith.muli %mul3A_195, %scan3A_186 : i32
        %get3A = arith.constant 0 : i32
        %get3A_197 = arith.constant 0 : i32
        %get3A_198 = tpu.memref_slice %arg9[%select_n3A_150, %get3A, %get3A_197] : memref<3x128x128xf32, #tpu.memory_space<vmem>> -> memref<1x128x128xf32, #tpu.memory_space<vmem>>
        %get3A_199 = tpu.memref_squeeze %get3A_198 : memref<1x128x128xf32, #tpu.memory_space<vmem>> -> memref<128x128xf32, #tpu.memory_space<vmem>>
        %get3A_200 = arith.index_cast %mul3A_196 : i32 to index
        %get3A_201 = arith.constant 0 : index
        %get3A_202 = tpu.vector_load %get3A_199[%get3A_200, %get3A_201] {strides = array<i32>} : memref<128x128xf32, #tpu.memory_space<vmem>>, vector<1x16xf32>,
        %get3A_203 = vector.shape_cast %get3A_202 : vector<1x16xf32> to vector<16xf32>
        %get3A_204 = arith.constant 0 : i32
        %get3A_205 = arith.constant 0 : i32
        %get3A_206 = tpu.memref_slice %arg10[%select_n3A_150, %get3A_204, %get3A_205] : memref<3x128x128xf32, #tpu.memory_space<vmem>> -> memref<1x128x128xf32, #tpu.memory_space<vmem>>
        %get3A_207 = tpu.memref_squeeze %get3A_206 : memref<1x128x128xf32, #tpu.memory_space<vmem>> -> memref<128x128xf32, #tpu.memory_space<vmem>>
        %get3A_208 = arith.index_cast %mul3A_196 : i32 to index
        %get3A_209 = arith.constant 0 : index
        %get3A_210 = tpu.vector_load %get3A_207[%get3A_208, %get3A_209] {strides = array<i32>} : memref<128x128xf32, #tpu.memory_space<vmem>>, vector<1x16xf32>,
        %get3A_211 = vector.shape_cast %get3A_210 : vector<1x16xf32> to vector<16xf32>
        %mul3A_212 = arith.mulf %get3A_203, %get3A_211 : vector<16xf32>
        %add3A_213 = arith.addf %scan3A_187, %mul3A_212 : vector<16xf32>
        %get3A_214 = arith.constant 0 : i32
        %get3A_215 = arith.constant 0 : i32
        %get3A_216 = tpu.memref_slice %arg9[%select_n3A_150, %get3A_214, %get3A_215] : memref<3x128x128xf32, #tpu.memory_space<vmem>> -> memref<1x128x128xf32, #tpu.memory_space<vmem>>
        %get3A_217 = tpu.memref_squeeze %get3A_216 : memref<1x128x128xf32, #tpu.memory_space<vmem>> -> memref<128x128xf32, #tpu.memory_space<vmem>>
        %get3A_218 = arith.index_cast %mul3A_196 : i32 to index
        %get3A_219 = arith.constant 16 : index
        %get3A_220 = tpu.vector_load %get3A_217[%get3A_218, %get3A_219] {strides = array<i32>} : memref<128x128xf32, #tpu.memory_space<vmem>>, vector<1x16xf32>,
        %get3A_221 = vector.shape_cast %get3A_220 : vector<1x16xf32> to vector<16xf32>
        %get3A_222 = arith.constant 0 : i32
        %get3A_223 = arith.constant 0 : i32
        %get3A_224 = tpu.memref_slice %arg10[%select_n3A_150, %get3A_222, %get3A_223] : memref<3x128x128xf32, #tpu.memory_space<vmem>> -> memref<1x128x128xf32, #tpu.memory_space<vmem>>
        %get3A_225 = tpu.memref_squeeze %get3A_224 : memref<1x128x128xf32, #tpu.memory_space<vmem>> -> memref<128x128xf32, #tpu.memory_space<vmem>>
        %get3A_226 = arith.index_cast %mul3A_196 : i32 to index
        %get3A_227 = arith.constant 16 : index
        %get3A_228 = tpu.vector_load %get3A_225[%get3A_226, %get3A_227] {strides = array<i32>} : memref<128x128xf32, #tpu.memory_space<vmem>>, vector<1x16xf32>,
        %get3A_229 = vector.shape_cast %get3A_228 : vector<1x16xf32> to vector<16xf32>
        %mul3A_230 = arith.mulf %get3A_221, %get3A_229 : vector<16xf32>
        %add3A_231 = arith.addf %scan3A_188, %mul3A_230 : vector<16xf32>
        %get3A_232 = arith.constant 0 : i32
        %get3A_233 = arith.constant 0 : i32
        %get3A_234 = tpu.memref_slice %arg9[%select_n3A_150, %get3A_232, %get3A_233] : memref<3x128x128xf32, #tpu.memory_space<vmem>> -> memref<1x128x128xf32, #tpu.memory_space<vmem>>
        %get3A_235 = tpu.memref_squeeze %get3A_234 : memref<1x128x128xf32, #tpu.memory_space<vmem>> -> memref<128x128xf32, #tpu.memory_space<vmem>>
        %get3A_236 = arith.index_cast %mul3A_196 : i32 to index
        %get3A_237 = arith.constant 32 : index
        %get3A_238 = tpu.vector_load %get3A_235[%get3A_236, %get3A_237] {strides = array<i32>} : memref<128x128xf32, #tpu.memory_space<vmem>>, vector<1x16xf32>,
        %get3A_239 = vector.shape_cast %get3A_238 : vector<1x16xf32> to vector<16xf32>
        %get3A_240 = arith.constant 0 : i32
        %get3A_241 = arith.constant 0 : i32
        %get3A_242 = tpu.memref_slice %arg10[%select_n3A_150, %get3A_240, %get3A_241] : memref<3x128x128xf32, #tpu.memory_space<vmem>> -> memref<1x128x128xf32, #tpu.memory_space<vmem>>
        %get3A_243 = tpu.memref_squeeze %get3A_242 : memref<1x128x128xf32, #tpu.memory_space<vmem>> -> memref<128x128xf32, #tpu.memory_space<vmem>>
        %get3A_244 = arith.index_cast %mul3A_196 : i32 to index
        %get3A_245 = arith.constant 32 : index
        %get3A_246 = tpu.vector_load %get3A_243[%get3A_244, %get3A_245] {strides = array<i32>} : memref<128x128xf32, #tpu.memory_space<vmem>>, vector<1x16xf32>,
        %get3A_247 = vector.shape_cast %get3A_246 : vector<1x16xf32> to vector<16xf32>
        %mul3A_248 = arith.mulf %get3A_239, %get3A_247 : vector<16xf32>
        %add3A_249 = arith.addf %scan3A_189, %mul3A_248 : vector<16xf32>
        %get3A_250 = arith.constant 0 : i32
        %get3A_251 = arith.constant 0 : i32
        %get3A_252 = tpu.memref_slice %arg9[%select_n3A_150, %get3A_250, %get3A_251] : memref<3x128x128xf32, #tpu.memory_space<vmem>> -> memref<1x128x128xf32, #tpu.memory_space<vmem>>
        %get3A_253 = tpu.memref_squeeze %get3A_252 : memref<1x128x128xf32, #tpu.memory_space<vmem>> -> memref<128x128xf32, #tpu.memory_space<vmem>>
        %get3A_254 = arith.index_cast %mul3A_196 : i32 to index
        %get3A_255 = arith.constant 48 : index
        %get3A_256 = tpu.vector_load %get3A_253[%get3A_254, %get3A_255] {strides = array<i32>} : memref<128x128xf32, #tpu.memory_space<vmem>>, vector<1x16xf32>,
        %get3A_257 = vector.shape_cast %get3A_256 : vector<1x16xf32> to vector<16xf32>
        %get3A_258 = arith.constant 0 : i32
        %get3A_259 = arith.constant 0 : i32
        %get3A_260 = tpu.memref_slice %arg10[%select_n3A_150, %get3A_258, %get3A_259] : memref<3x128x128xf32, #tpu.memory_space<vmem>> -> memref<1x128x128xf32, #tpu.memory_space<vmem>>
        %get3A_261 = tpu.memref_squeeze %get3A_260 : memref<1x128x128xf32, #tpu.memory_space<vmem>> -> memref<128x128xf32, #tpu.memory_space<vmem>>
        %get3A_262 = arith.index_cast %mul3A_196 : i32 to index
        %get3A_263 = arith.constant 48 : index
        %get3A_264 = tpu.vector_load %get3A_261[%get3A_262, %get3A_263] {strides = array<i32>} : memref<128x128xf32, #tpu.memory_space<vmem>>, vector<1x16xf32>,
        %get3A_265 = vector.shape_cast %get3A_264 : vector<1x16xf32> to vector<16xf32>
        %mul3A_266 = arith.mulf %get3A_257, %get3A_265 : vector<16xf32>
        %add3A_267 = arith.addf %scan3A_190, %mul3A_266 : vector<16xf32>
        %get3A_268 = arith.constant 0 : i32
        %get3A_269 = arith.constant 0 : i32
        %get3A_270 = tpu.memref_slice %arg9[%select_n3A_150, %get3A_268, %get3A_269] : memref<3x128x128xf32, #tpu.memory_space<vmem>> -> memref<1x128x128xf32, #tpu.memory_space<vmem>>
        %get3A_271 = tpu.memref_squeeze %get3A_270 : memref<1x128x128xf32, #tpu.memory_space<vmem>> -> memref<128x128xf32, #tpu.memory_space<vmem>>
        %get3A_272 = arith.index_cast %mul3A_196 : i32 to index
        %get3A_273 = arith.constant 64 : index
        %get3A_274 = tpu.vector_load %get3A_271[%get3A_272, %get3A_273] {strides = array<i32>} : memref<128x128xf32, #tpu.memory_space<vmem>>, vector<1x16xf32>,
        %get3A_275 = vector.shape_cast %get3A_274 : vector<1x16xf32> to vector<16xf32>
        %get3A_276 = arith.constant 0 : i32
        %get3A_277 = arith.constant 0 : i32
        %get3A_278 = tpu.memref_slice %arg10[%select_n3A_150, %get3A_276, %get3A_277] : memref<3x128x128xf32, #tpu.memory_space<vmem>> -> memref<1x128x128xf32, #tpu.memory_space<vmem>>
        %get3A_279 = tpu.memref_squeeze %get3A_278 : memref<1x128x128xf32, #tpu.memory_space<vmem>> -> memref<128x128xf32, #tpu.memory_space<vmem>>
        %get3A_280 = arith.index_cast %mul3A_196 : i32 to index
        %get3A_281 = arith.constant 64 : index
        %get3A_282 = tpu.vector_load %get3A_279[%get3A_280, %get3A_281] {strides = array<i32>} : memref<128x128xf32, #tpu.memory_space<vmem>>, vector<1x16xf32>,
        %get3A_283 = vector.shape_cast %get3A_282 : vector<1x16xf32> to vector<16xf32>
        %mul3A_284 = arith.mulf %get3A_275, %get3A_283 : vector<16xf32>
        %add3A_285 = arith.addf %scan3A_191, %mul3A_284 : vector<16xf32>
        %get3A_286 = arith.constant 0 : i32
        %get3A_287 = arith.constant 0 : i32
        %get3A_288 = tpu.memref_slice %arg9[%select_n3A_150, %get3A_286, %get3A_287] : memref<3x128x128xf32, #tpu.memory_space<vmem>> -> memref<1x128x128xf32, #tpu.memory_space<vmem>>
        %get3A_289 = tpu.memref_squeeze %get3A_288 : memref<1x128x128xf32, #tpu.memory_space<vmem>> -> memref<128x128xf32, #tpu.memory_space<vmem>>
        %get3A_290 = arith.index_cast %mul3A_196 : i32 to index
        %get3A_291 = arith.constant 80 : index
        %get3A_292 = tpu.vector_load %get3A_289[%get3A_290, %get3A_291] {strides = array<i32>} : memref<128x128xf32, #tpu.memory_space<vmem>>, vector<1x16xf32>,
        %get3A_293 = vector.shape_cast %get3A_292 : vector<1x16xf32> to vector<16xf32>
        %get3A_294 = arith.constant 0 : i32
        %get3A_295 = arith.constant 0 : i32
        %get3A_296 = tpu.memref_slice %arg10[%select_n3A_150, %get3A_294, %get3A_295] : memref<3x128x128xf32, #tpu.memory_space<vmem>> -> memref<1x128x128xf32, #tpu.memory_space<vmem>>
        %get3A_297 = tpu.memref_squeeze %get3A_296 : memref<1x128x128xf32, #tpu.memory_space<vmem>> -> memref<128x128xf32, #tpu.memory_space<vmem>>
        %get3A_298 = arith.index_cast %mul3A_196 : i32 to index
        %get3A_299 = arith.constant 80 : index
        %get3A_300 = tpu.vector_load %get3A_297[%get3A_298, %get3A_299] {strides = array<i32>} : memref<128x128xf32, #tpu.memory_space<vmem>>, vector<1x16xf32>,
        %get3A_301 = vector.shape_cast %get3A_300 : vector<1x16xf32> to vector<16xf32>
        %mul3A_302 = arith.mulf %get3A_293, %get3A_301 : vector<16xf32>
        %add3A_303 = arith.addf %scan3A_192, %mul3A_302 : vector<16xf32>
        %get3A_304 = arith.constant 0 : i32
        %get3A_305 = arith.constant 0 : i32
        %get3A_306 = tpu.memref_slice %arg9[%select_n3A_150, %get3A_304, %get3A_305] : memref<3x128x128xf32, #tpu.memory_space<vmem>> -> memref<1x128x128xf32, #tpu.memory_space<vmem>>
        %get3A_307 = tpu.memref_squeeze %get3A_306 : memref<1x128x128xf32, #tpu.memory_space<vmem>> -> memref<128x128xf32, #tpu.memory_space<vmem>>
        %get3A_308 = arith.index_cast %mul3A_196 : i32 to index
        %get3A_309 = arith.constant 96 : index
        %get3A_310 = tpu.vector_load %get3A_307[%get3A_308, %get3A_309] {strides = array<i32>} : memref<128x128xf32, #tpu.memory_space<vmem>>, vector<1x16xf32>,
        %get3A_311 = vector.shape_cast %get3A_310 : vector<1x16xf32> to vector<16xf32>
        %get3A_312 = arith.constant 0 : i32
        %get3A_313 = arith.constant 0 : i32
        %get3A_314 = tpu.memref_slice %arg10[%select_n3A_150, %get3A_312, %get3A_313] : memref<3x128x128xf32, #tpu.memory_space<vmem>> -> memref<1x128x128xf32, #tpu.memory_space<vmem>>
        %get3A_315 = tpu.memref_squeeze %get3A_314 : memref<1x128x128xf32, #tpu.memory_space<vmem>> -> memref<128x128xf32, #tpu.memory_space<vmem>>
        %get3A_316 = arith.index_cast %mul3A_196 : i32 to index
        %get3A_317 = arith.constant 96 : index
        %get3A_318 = tpu.vector_load %get3A_315[%get3A_316, %get3A_317] {strides = array<i32>} : memref<128x128xf32, #tpu.memory_space<vmem>>, vector<1x16xf32>,
        %get3A_319 = vector.shape_cast %get3A_318 : vector<1x16xf32> to vector<16xf32>
        %mul3A_320 = arith.mulf %get3A_311, %get3A_319 : vector<16xf32>
        %add3A_321 = arith.addf %scan3A_193, %mul3A_320 : vector<16xf32>
        %get3A_322 = arith.constant 0 : i32
        %get3A_323 = arith.constant 0 : i32
        %get3A_324 = tpu.memref_slice %arg9[%select_n3A_150, %get3A_322, %get3A_323] : memref<3x128x128xf32, #tpu.memory_space<vmem>> -> memref<1x128x128xf32, #tpu.memory_space<vmem>>
        %get3A_325 = tpu.memref_squeeze %get3A_324 : memref<1x128x128xf32, #tpu.memory_space<vmem>> -> memref<128x128xf32, #tpu.memory_space<vmem>>
        %get3A_326 = arith.index_cast %mul3A_196 : i32 to index
        %get3A_327 = arith.constant 112 : index
        %get3A_328 = tpu.vector_load %get3A_325[%get3A_326, %get3A_327] {strides = array<i32>} : memref<128x128xf32, #tpu.memory_space<vmem>>, vector<1x16xf32>,
        %get3A_329 = vector.shape_cast %get3A_328 : vector<1x16xf32> to vector<16xf32>
        %get3A_330 = arith.constant 0 : i32
        %get3A_331 = arith.constant 0 : i32
        %get3A_332 = tpu.memref_slice %arg10[%select_n3A_150, %get3A_330, %get3A_331] : memref<3x128x128xf32, #tpu.memory_space<vmem>> -> memref<1x128x128xf32, #tpu.memory_space<vmem>>
        %get3A_333 = tpu.memref_squeeze %get3A_332 : memref<1x128x128xf32, #tpu.memory_space<vmem>> -> memref<128x128xf32, #tpu.memory_space<vmem>>
        %get3A_334 = arith.index_cast %mul3A_196 : i32 to index
        %get3A_335 = arith.constant 112 : index
        %get3A_336 = tpu.vector_load %get3A_333[%get3A_334, %get3A_335] {strides = array<i32>} : memref<128x128xf32, #tpu.memory_space<vmem>>, vector<1x16xf32>,
        %get3A_337 = vector.shape_cast %get3A_336 : vector<1x16xf32> to vector<16xf32>
        %mul3A_338 = arith.mulf %get3A_329, %get3A_337 : vector<16xf32>
        %add3A_339 = arith.addf %scan3A_194, %mul3A_338 : vector<16xf32>
        %add3A_340 = arith.constant 1 : i32
        %add3A_341 = arith.addi %mul3A_196, %add3A_340 : i32
        %get3A_342 = arith.constant 0 : i32
        %get3A_343 = arith.constant 0 : i32
        %get3A_344 = tpu.memref_slice %arg9[%select_n3A_150, %get3A_342, %get3A_343] : memref<3x128x128xf32, #tpu.memory_space<vmem>> -> memref<1x128x128xf32, #tpu.memory_space<vmem>>
        %get3A_345 = tpu.memref_squeeze %get3A_344 : memref<1x128x128xf32, #tpu.memory_space<vmem>> -> memref<128x128xf32, #tpu.memory_space<vmem>>
        %get3A_346 = arith.index_cast %add3A_341 : i32 to index
        %get3A_347 = arith.constant 0 : index
        %get3A_348 = tpu.vector_load %get3A_345[%get3A_346, %get3A_347] {strides = array<i32>} : memref<128x128xf32, #tpu.memory_space<vmem>>, vector<1x16xf32>,
        %get3A_349 = vector.shape_cast %get3A_348 : vector<1x16xf32> to vector<16xf32>
        %add3A_350 = arith.constant 1 : i32
        %add3A_351 = arith.addi %mul3A_196, %add3A_350 : i32
        %get3A_352 = arith.constant 0 : i32
        %get3A_353 = arith.constant 0 : i32
        %get3A_354 = tpu.memref_slice %arg10[%select_n3A_150, %get3A_352, %get3A_353] : memref<3x128x128xf32, #tpu.memory_space<vmem>> -> memref<1x128x128xf32, #tpu.memory_space<vmem>>
        %get3A_355 = tpu.memref_squeeze %get3A_354 : memref<1x128x128xf32, #tpu.memory_space<vmem>> -> memref<128x128xf32, #tpu.memory_space<vmem>>
        %get3A_356 = arith.index_cast %add3A_351 : i32 to index
        %get3A_357 = arith.constant 0 : index
        %get3A_358 = tpu.vector_load %get3A_355[%get3A_356, %get3A_357] {strides = array<i32>} : memref<128x128xf32, #tpu.memory_space<vmem>>, vector<1x16xf32>,
        %get3A_359 = vector.shape_cast %get3A_358 : vector<1x16xf32> to vector<16xf32>
        %mul3A_360 = arith.mulf %get3A_349, %get3A_359 : vector<16xf32>
        %add3A_361 = arith.addf %add3A_213, %mul3A_360 : vector<16xf32>
        %add3A_362 = arith.constant 1 : i32
        %add3A_363 = arith.addi %mul3A_196, %add3A_362 : i32
        %get3A_364 = arith.constant 0 : i32
        %get3A_365 = arith.constant 0 : i32
        %get3A_366 = tpu.memref_slice %arg9[%select_n3A_150, %get3A_364, %get3A_365] : memref<3x128x128xf32, #tpu.memory_space<vmem>> -> memref<1x128x128xf32, #tpu.memory_space<vmem>>
        %get3A_367 = tpu.memref_squeeze %get3A_366 : memref<1x128x128xf32, #tpu.memory_space<vmem>> -> memref<128x128xf32, #tpu.memory_space<vmem>>
        %get3A_368 = arith.index_cast %add3A_363 : i32 to index
        %get3A_369 = arith.constant 16 : index
        %get3A_370 = tpu.vector_load %get3A_367[%get3A_368, %get3A_369] {strides = array<i32>} : memref<128x128xf32, #tpu.memory_space<vmem>>, vector<1x16xf32>,
        %get3A_371 = vector.shape_cast %get3A_370 : vector<1x16xf32> to vector<16xf32>
        %add3A_372 = arith.constant 1 : i32
        %add3A_373 = arith.addi %mul3A_196, %add3A_372 : i32
        %get3A_374 = arith.constant 0 : i32
        %get3A_375 = arith.constant 0 : i32
        %get3A_376 = tpu.memref_slice %arg10[%select_n3A_150, %get3A_374, %get3A_375] : memref<3x128x128xf32, #tpu.memory_space<vmem>> -> memref<1x128x128xf32, #tpu.memory_space<vmem>>
        %get3A_377 = tpu.memref_squeeze %get3A_376 : memref<1x128x128xf32, #tpu.memory_space<vmem>> -> memref<128x128xf32, #tpu.memory_space<vmem>>
        %get3A_378 = arith.index_cast %add3A_373 : i32 to index
        %get3A_379 = arith.constant 16 : index
        %get3A_380 = tpu.vector_load %get3A_377[%get3A_378, %get3A_379] {strides = array<i32>} : memref<128x128xf32, #tpu.memory_space<vmem>>, vector<1x16xf32>,
        %get3A_381 = vector.shape_cast %get3A_380 : vector<1x16xf32> to vector<16xf32>
        %mul3A_382 = arith.mulf %get3A_371, %get3A_381 : vector<16xf32>
        %add3A_383 = arith.addf %add3A_231, %mul3A_382 : vector<16xf32>
        %add3A_384 = arith.constant 1 : i32
        %add3A_385 = arith.addi %mul3A_196, %add3A_384 : i32
        %get3A_386 = arith.constant 0 : i32
        %get3A_387 = arith.constant 0 : i32
        %get3A_388 = tpu.memref_slice %arg9[%select_n3A_150, %get3A_386, %get3A_387] : memref<3x128x128xf32, #tpu.memory_space<vmem>> -> memref<1x128x128xf32, #tpu.memory_space<vmem>>
        %get3A_389 = tpu.memref_squeeze %get3A_388 : memref<1x128x128xf32, #tpu.memory_space<vmem>> -> memref<128x128xf32, #tpu.memory_space<vmem>>
        %get3A_390 = arith.index_cast %add3A_385 : i32 to index
        %get3A_391 = arith.constant 32 : index
        %get3A_392 = tpu.vector_load %get3A_389[%get3A_390, %get3A_391] {strides = array<i32>} : memref<128x128xf32, #tpu.memory_space<vmem>>, vector<1x16xf32>,
        %get3A_393 = vector.shape_cast %get3A_392 : vector<1x16xf32> to vector<16xf32>
        %add3A_394 = arith.constant 1 : i32
        %add3A_395 = arith.addi %mul3A_196, %add3A_394 : i32
        %get3A_396 = arith.constant 0 : i32
        %get3A_397 = arith.constant 0 : i32
        %get3A_398 = tpu.memref_slice %arg10[%select_n3A_150, %get3A_396, %get3A_397] : memref<3x128x128xf32, #tpu.memory_space<vmem>> -> memref<1x128x128xf32, #tpu.memory_space<vmem>>
        %get3A_399 = tpu.memref_squeeze %get3A_398 : memref<1x128x128xf32, #tpu.memory_space<vmem>> -> memref<128x128xf32, #tpu.memory_space<vmem>>
        %get3A_400 = arith.index_cast %add3A_395 : i32 to index
        %get3A_401 = arith.constant 32 : index
        %get3A_402 = tpu.vector_load %get3A_399[%get3A_400, %get3A_401] {strides = array<i32>} : memref<128x128xf32, #tpu.memory_space<vmem>>, vector<1x16xf32>,
        %get3A_403 = vector.shape_cast %get3A_402 : vector<1x16xf32> to vector<16xf32>
        %mul3A_404 = arith.mulf %get3A_393, %get3A_403 : vector<16xf32>
        %add3A_405 = arith.addf %add3A_249, %mul3A_404 : vector<16xf32>
        %add3A_406 = arith.constant 1 : i32
        %add3A_407 = arith.addi %mul3A_196, %add3A_406 : i32
        %get3A_408 = arith.constant 0 : i32
        %get3A_409 = arith.constant 0 : i32
        %get3A_410 = tpu.memref_slice %arg9[%select_n3A_150, %get3A_408, %get3A_409] : memref<3x128x128xf32, #tpu.memory_space<vmem>> -> memref<1x128x128xf32, #tpu.memory_space<vmem>>
        %get3A_411 = tpu.memref_squeeze %get3A_410 : memref<1x128x128xf32, #tpu.memory_space<vmem>> -> memref<128x128xf32, #tpu.memory_space<vmem>>
        %get3A_412 = arith.index_cast %add3A_407 : i32 to index
        %get3A_413 = arith.constant 48 : index
        %get3A_414 = tpu.vector_load %get3A_411[%get3A_412, %get3A_413] {strides = array<i32>} : memref<128x128xf32, #tpu.memory_space<vmem>>, vector<1x16xf32>,
        %get3A_415 = vector.shape_cast %get3A_414 : vector<1x16xf32> to vector<16xf32>
        %add3A_416 = arith.constant 1 : i32
        %add3A_417 = arith.addi %mul3A_196, %add3A_416 : i32
        %get3A_418 = arith.constant 0 : i32
        %get3A_419 = arith.constant 0 : i32
        %get3A_420 = tpu.memref_slice %arg10[%select_n3A_150, %get3A_418, %get3A_419] : memref<3x128x128xf32, #tpu.memory_space<vmem>> -> memref<1x128x128xf32, #tpu.memory_space<vmem>>
        %get3A_421 = tpu.memref_squeeze %get3A_420 : memref<1x128x128xf32, #tpu.memory_space<vmem>> -> memref<128x128xf32, #tpu.memory_space<vmem>>
        %get3A_422 = arith.index_cast %add3A_417 : i32 to index
        %get3A_423 = arith.constant 48 : index
        %get3A_424 = tpu.vector_load %get3A_421[%get3A_422, %get3A_423] {strides = array<i32>} : memref<128x128xf32, #tpu.memory_space<vmem>>, vector<1x16xf32>,
        %get3A_425 = vector.shape_cast %get3A_424 : vector<1x16xf32> to vector<16xf32>
        %mul3A_426 = arith.mulf %get3A_415, %get3A_425 : vector<16xf32>
        %add3A_427 = arith.addf %add3A_267, %mul3A_426 : vector<16xf32>
        %add3A_428 = arith.constant 1 : i32
        %add3A_429 = arith.addi %mul3A_196, %add3A_428 : i32
        %get3A_430 = arith.constant 0 : i32
        %get3A_431 = arith.constant 0 : i32
        %get3A_432 = tpu.memref_slice %arg9[%select_n3A_150, %get3A_430, %get3A_431] : memref<3x128x128xf32, #tpu.memory_space<vmem>> -> memref<1x128x128xf32, #tpu.memory_space<vmem>>
        %get3A_433 = tpu.memref_squeeze %get3A_432 : memref<1x128x128xf32, #tpu.memory_space<vmem>> -> memref<128x128xf32, #tpu.memory_space<vmem>>
        %get3A_434 = arith.index_cast %add3A_429 : i32 to index
        %get3A_435 = arith.constant 64 : index
        %get3A_436 = tpu.vector_load %get3A_433[%get3A_434, %get3A_435] {strides = array<i32>} : memref<128x128xf32, #tpu.memory_space<vmem>>, vector<1x16xf32>,
        %get3A_437 = vector.shape_cast %get3A_436 : vector<1x16xf32> to vector<16xf32>
        %add3A_438 = arith.constant 1 : i32
        %add3A_439 = arith.addi %mul3A_196, %add3A_438 : i32
        %get3A_440 = arith.constant 0 : i32
        %get3A_441 = arith.constant 0 : i32
        %get3A_442 = tpu.memref_slice %arg10[%select_n3A_150, %get3A_440, %get3A_441] : memref<3x128x128xf32, #tpu.memory_space<vmem>> -> memref<1x128x128xf32, #tpu.memory_space<vmem>>
        %get3A_443 = tpu.memref_squeeze %get3A_442 : memref<1x128x128xf32, #tpu.memory_space<vmem>> -> memref<128x128xf32, #tpu.memory_space<vmem>>
        %get3A_444 = arith.index_cast %add3A_439 : i32 to index
        %get3A_445 = arith.constant 64 : index
        %get3A_446 = tpu.vector_load %get3A_443[%get3A_444, %get3A_445] {strides = array<i32>} : memref<128x128xf32, #tpu.memory_space<vmem>>, vector<1x16xf32>,
        %get3A_447 = vector.shape_cast %get3A_446 : vector<1x16xf32> to vector<16xf32>
        %mul3A_448 = arith.mulf %get3A_437, %get3A_447 : vector<16xf32>
        %add3A_449 = arith.addf %add3A_285, %mul3A_448 : vector<16xf32>
        %add3A_450 = arith.constant 1 : i32
        %add3A_451 = arith.addi %mul3A_196, %add3A_450 : i32
        %get3A_452 = arith.constant 0 : i32
        %get3A_453 = arith.constant 0 : i32
        %get3A_454 = tpu.memref_slice %arg9[%select_n3A_150, %get3A_452, %get3A_453] : memref<3x128x128xf32, #tpu.memory_space<vmem>> -> memref<1x128x128xf32, #tpu.memory_space<vmem>>
        %get3A_455 = tpu.memref_squeeze %get3A_454 : memref<1x128x128xf32, #tpu.memory_space<vmem>> -> memref<128x128xf32, #tpu.memory_space<vmem>>
        %get3A_456 = arith.index_cast %add3A_451 : i32 to index
        %get3A_457 = arith.constant 80 : index
        %get3A_458 = tpu.vector_load %get3A_455[%get3A_456, %get3A_457] {strides = array<i32>} : memref<128x128xf32, #tpu.memory_space<vmem>>, vector<1x16xf32>,
        %get3A_459 = vector.shape_cast %get3A_458 : vector<1x16xf32> to vector<16xf32>
        %add3A_460 = arith.constant 1 : i32
        %add3A_461 = arith.addi %mul3A_196, %add3A_460 : i32
        %get3A_462 = arith.constant 0 : i32
        %get3A_463 = arith.constant 0 : i32
        %get3A_464 = tpu.memref_slice %arg10[%select_n3A_150, %get3A_462, %get3A_463] : memref<3x128x128xf32, #tpu.memory_space<vmem>> -> memref<1x128x128xf32, #tpu.memory_space<vmem>>
        %get3A_465 = tpu.memref_squeeze %get3A_464 : memref<1x128x128xf32, #tpu.memory_space<vmem>> -> memref<128x128xf32, #tpu.memory_space<vmem>>
        %get3A_466 = arith.index_cast %add3A_461 : i32 to index
        %get3A_467 = arith.constant 80 : index
        %get3A_468 = tpu.vector_load %get3A_465[%get3A_466, %get3A_467] {strides = array<i32>} : memref<128x128xf32, #tpu.memory_space<vmem>>, vector<1x16xf32>,
        %get3A_469 = vector.shape_cast %get3A_468 : vector<1x16xf32> to vector<16xf32>
        %mul3A_470 = arith.mulf %get3A_459, %get3A_469 : vector<16xf32>
        %add3A_471 = arith.addf %add3A_303, %mul3A_470 : vector<16xf32>
        %add3A_472 = arith.constant 1 : i32
        %add3A_473 = arith.addi %mul3A_196, %add3A_472 : i32
        %get3A_474 = arith.constant 0 : i32
        %get3A_475 = arith.constant 0 : i32
        %get3A_476 = tpu.memref_slice %arg9[%select_n3A_150, %get3A_474, %get3A_475] : memref<3x128x128xf32, #tpu.memory_space<vmem>> -> memref<1x128x128xf32, #tpu.memory_space<vmem>>
        %get3A_477 = tpu.memref_squeeze %get3A_476 : memref<1x128x128xf32, #tpu.memory_space<vmem>> -> memref<128x128xf32, #tpu.memory_space<vmem>>
        %get3A_478 = arith.index_cast %add3A_473 : i32 to index
        %get3A_479 = arith.constant 96 : index
        %get3A_480 = tpu.vector_load %get3A_477[%get3A_478, %get3A_479] {strides = array<i32>} : memref<128x128xf32, #tpu.memory_space<vmem>>, vector<1x16xf32>,
        %get3A_481 = vector.shape_cast %get3A_480 : vector<1x16xf32> to vector<16xf32>
        %add3A_482 = arith.constant 1 : i32
        %add3A_483 = arith.addi %mul3A_196, %add3A_482 : i32
        %get3A_484 = arith.constant 0 : i32
        %get3A_485 = arith.constant 0 : i32
        %get3A_486 = tpu.memref_slice %arg10[%select_n3A_150, %get3A_484, %get3A_485] : memref<3x128x128xf32, #tpu.memory_space<vmem>> -> memref<1x128x128xf32, #tpu.memory_space<vmem>>
        %get3A_487 = tpu.memref_squeeze %get3A_486 : memref<1x128x128xf32, #tpu.memory_space<vmem>> -> memref<128x128xf32, #tpu.memory_space<vmem>>
        %get3A_488 = arith.index_cast %add3A_483 : i32 to index
        %get3A_489 = arith.constant 96 : index
        %get3A_490 = tpu.vector_load %get3A_487[%get3A_488, %get3A_489] {strides = array<i32>} : memref<128x128xf32, #tpu.memory_space<vmem>>, vector<1x16xf32>,
        %get3A_491 = vector.shape_cast %get3A_490 : vector<1x16xf32> to vector<16xf32>
        %mul3A_492 = arith.mulf %get3A_481, %get3A_491 : vector<16xf32>
        %add3A_493 = arith.addf %add3A_321, %mul3A_492 : vector<16xf32>
        %add3A_494 = arith.constant 1 : i32
        %add3A_495 = arith.addi %mul3A_196, %add3A_494 : i32
        %get3A_496 = arith.constant 0 : i32
        %get3A_497 = arith.constant 0 : i32
        %get3A_498 = tpu.memref_slice %arg9[%select_n3A_150, %get3A_496, %get3A_497] : memref<3x128x128xf32, #tpu.memory_space<vmem>> -> memref<1x128x128xf32, #tpu.memory_space<vmem>>
        %get3A_499 = tpu.memref_squeeze %get3A_498 : memref<1x128x128xf32, #tpu.memory_space<vmem>> -> memref<128x128xf32, #tpu.memory_space<vmem>>
        %get3A_500 = arith.index_cast %add3A_495 : i32 to index
        %get3A_501 = arith.constant 112 : index
        %get3A_502 = tpu.vector_load %get3A_499[%get3A_500, %get3A_501] {strides = array<i32>} : memref<128x128xf32, #tpu.memory_space<vmem>>, vector<1x16xf32>,
        %get3A_503 = vector.shape_cast %get3A_502 : vector<1x16xf32> to vector<16xf32>
        %add3A_504 = arith.constant 1 : i32
        %add3A_505 = arith.addi %mul3A_196, %add3A_504 : i32
        %get3A_506 = arith.constant 0 : i32
        %get3A_507 = arith.constant 0 : i32
        %get3A_508 = tpu.memref_slice %arg10[%select_n3A_150, %get3A_506, %get3A_507] : memref<3x128x128xf32, #tpu.memory_space<vmem>> -> memref<1x128x128xf32, #tpu.memory_space<vmem>>
        %get3A_509 = tpu.memref_squeeze %get3A_508 : memref<1x128x128xf32, #tpu.memory_space<vmem>> -> memref<128x128xf32, #tpu.memory_space<vmem>>
        %get3A_510 = arith.index_cast %add3A_505 : i32 to index
        %get3A_511 = arith.constant 112 : index
        %get3A_512 = tpu.vector_load %get3A_509[%get3A_510, %get3A_511] {strides = array<i32>} : memref<128x128xf32, #tpu.memory_space<vmem>>, vector<1x16xf32>,
        %get3A_513 = vector.shape_cast %get3A_512 : vector<1x16xf32> to vector<16xf32>
        %mul3A_514 = arith.mulf %get3A_503, %get3A_513 : vector<16xf32>
        %add3A_515 = arith.addf %add3A_339, %mul3A_514 : vector<16xf32>
        scf.yield %add3A_361, %add3A_383, %add3A_405, %add3A_427, %add3A_449, %add3A_471, %add3A_493, %add3A_515 : vector<16xf32>, vector<16xf32>, vector<16xf32>, vector<16xf32>, vector<16xf32>, vector<16xf32>, vector<16xf32>, vector<16xf32>
      }
      %scan3A_172 = arith.constant 64 : i32
      %add3A_173 = arith.addf %scan3A_94, %scan3A_171#0 : vector<16xf32>
      %add3A_174 = arith.addf %add3A_173, %scan3A_171#1 : vector<16xf32>
      %add3A_175 = arith.addf %add3A_174, %scan3A_171#2 : vector<16xf32>
      %add3A_176 = arith.addf %add3A_175, %scan3A_171#3 : vector<16xf32>
      %add3A_177 = arith.addf %add3A_176, %scan3A_171#4 : vector<16xf32>
      %add3A_178 = arith.addf %add3A_177, %scan3A_171#5 : vector<16xf32>
      %add3A_179 = arith.addf %add3A_178, %scan3A_171#6 : vector<16xf32>
      %add3A_180 = arith.addf %add3A_179, %scan3A_171#7 : vector<16xf32>
      %add3A_181 = arith.constant 3 : i32
      %add3A_182 = arith.addi %scan3A_93, %add3A_181 : i32
      %lt3A_183 = arith.constant 4 : i32
      %lt3A_184 = arith.cmpi slt, %add3A_182, %lt3A_183 : i32
      %convert_element_type3A = arith.extui %lt3A_184 : i1 to i32
      %cond3A = arith.constant 0 : i32
      %cond3A_185 = arith.cmpi ne, %convert_element_type3A, %cond3A : i32
      scf.if %cond3A_185 {
        %add3A_186 = arith.constant 3 : i32
        %add3A_187 = arith.addi %scan3A_93, %add3A_186 : i32
        %jit3A_188 = arith.constant 3 : i32
        %eq3A_189 = arith.constant 0 : i32
        %eq3A_190 = arith.cmpi eq, %jit3A_188, %eq3A_189 : i32
        %jit3A_191 = arith.constant 1 : i32
        %select_n3A_192 = arith.select %eq3A_190, %jit3A_191, %jit3A_188 : i32
        %rem3A_193 = arith.remsi %add3A_187, %select_n3A_192 : i32
        %ne3A_194 = arith.constant 0 : i32
        %ne3A_195 = arith.cmpi ne, %rem3A_193, %ne3A_194 : i32
        %lt3A_196 = arith.constant 0 : i32
        %lt3A_197 = arith.cmpi slt, %rem3A_193, %lt3A_196 : i32
        %lt3A_198 = arith.constant 0 : i32
        %lt3A_199 = arith.cmpi slt, %select_n3A_192, %lt3A_198 : i32
        %ne3A_200 = arith.xori %lt3A_197, %lt3A_199 : i1
        %and3A_201 = arith.andi %ne3A_200, %ne3A_195 : i1
        %add3A_202 = arith.addi %rem3A_193, %select_n3A_192 : i32
        %select_n3A_203 = arith.select %and3A_201, %add3A_202, %rem3A_193 : i32
        %mul3A_204 = arith.constant 128 : i32
        %mul3A_205 = arith.muli %add3A_187, %mul3A_204 : i32
        %dma_start3A_206 = arith.constant 0 : i32
        %dma_start3A_207 = arith.constant 0 : i32
        %dma_start3A_208 = tpu.memref_slice %arg9[%select_n3A_203, %dma_start3A_206, %dma_start3A_207] : memref<3x128x128xf32, #tpu.memory_space<vmem>> -> memref<1x128x128xf32, #tpu.memory_space<vmem>>
        %dma_start3A_209 = tpu.memref_squeeze %dma_start3A_208 : memref<1x128x128xf32, #tpu.memory_space<vmem>> -> memref<128x128xf32, #tpu.memory_space<vmem>>
        %dma_start3A_210 = tpu.memref_slice %arg7[%mul3A_205] : memref<512xi32, #tpu.memory_space<vmem>> -> memref<128xi32, #tpu.memory_space<vmem>>
        %dma_start3A_211 = arith.constant 0 : i32
        %dma_start3A_212 = arith.constant 0 : i32
        %dma_start3A_213 = tpu.memref_slice %arg4[%dma_start3A_211, %dma_start3A_212] : memref<1000000x128xf32, #tpu.memory_space<hbm>> -> memref<1000000x128xf32, #tpu.memory_space<hbm>>
        %dma_start3A_214 = tpu.memref_slice %arg12[%select_n3A_203] : memref<3x!tpu.dma_semaphore, #tpu.memory_space<semaphore_mem>> -> memref<1x!tpu.dma_semaphore, #tpu.memory_space<semaphore_mem>>
        %dma_start3A_215 = tpu.memref_squeeze %dma_start3A_214 : memref<1x!tpu.dma_semaphore, #tpu.memory_space<semaphore_mem>> -> memref<!tpu.dma_semaphore, #tpu.memory_space<semaphore_mem>>
        tpu.enqueue_indirect_dma source(%dma_start3A_213 : memref<1000000x128xf32, #tpu.memory_space<hbm>>) target(%dma_start3A_209 : memref<128x128xf32, #tpu.memory_space<vmem>>) offsets(%dma_start3A_210 : memref<128xi32, #tpu.memory_space<vmem>>) semaphore(%dma_start3A_215 : memref<!tpu.dma_semaphore, #tpu.memory_space<semaphore_mem>>)
        %dma_start3A_216 = arith.constant 0 : i32
        %dma_start3A_217 = arith.constant 0 : i32
        %dma_start3A_218 = tpu.memref_slice %arg10[%select_n3A_203, %dma_start3A_216, %dma_start3A_217] : memref<3x128x128xf32, #tpu.memory_space<vmem>> -> memref<1x128x128xf32, #tpu.memory_space<vmem>>
        %dma_start3A_219 = tpu.memref_squeeze %dma_start3A_218 : memref<1x128x128xf32, #tpu.memory_space<vmem>> -> memref<128x128xf32, #tpu.memory_space<vmem>>
        %dma_start3A_220 = tpu.memref_slice %arg8[%mul3A_205] : memref<512xi32, #tpu.memory_space<vmem>> -> memref<128xi32, #tpu.memory_space<vmem>>
        %dma_start3A_221 = arith.constant 0 : i32
        %dma_start3A_222 = arith.constant 0 : i32
        %dma_start3A_223 = tpu.memref_slice %arg5[%dma_start3A_221, %dma_start3A_222] : memref<100000x128xf32, #tpu.memory_space<hbm>> -> memref<100000x128xf32, #tpu.memory_space<hbm>>
        %dma_start3A_224 = tpu.memref_slice %arg12[%select_n3A_203] : memref<3x!tpu.dma_semaphore, #tpu.memory_space<semaphore_mem>> -> memref<1x!tpu.dma_semaphore, #tpu.memory_space<semaphore_mem>>
        %dma_start3A_225 = tpu.memref_squeeze %dma_start3A_224 : memref<1x!tpu.dma_semaphore, #tpu.memory_space<semaphore_mem>> -> memref<!tpu.dma_semaphore, #tpu.memory_space<semaphore_mem>>
        tpu.enqueue_indirect_dma source(%dma_start3A_223 : memref<100000x128xf32, #tpu.memory_space<hbm>>) target(%dma_start3A_219 : memref<128x128xf32, #tpu.memory_space<vmem>>) offsets(%dma_start3A_220 : memref<128xi32, #tpu.memory_space<vmem>>) semaphore(%dma_start3A_225 : memref<!tpu.dma_semaphore, #tpu.memory_space<semaphore_mem>>)
      } else {
      }
      scf.yield %add3A_180 : vector<16xf32>
    }
    %scan3A_89 = arith.constant 4 : i32
    %swap3A = arith.constant 0 : index
    %swap3A_90 = tpu.vector_load %arg11[%swap3A] {strides = array<i32>} : memref<16xf32, #tpu.memory_space<vmem>>, vector<16xf32>,
    %swap3A_91 = vector.shape_cast %swap3A_90 : vector<16xf32> to vector<16xf32>
    %swap3A_92 = vector.shape_cast %scan3A_88 : vector<16xf32> to vector<16xf32>
    tpu.vector_store %arg11[%swap3A], %swap3A_92 {strides = array<i32>} : memref<16xf32, #tpu.memory_space<vmem>>, vector<16xf32>,
    "tpu.region"() ({
      %run_scoped3A = tpu.sem_alloc : memref<!tpu.dma_semaphore, #tpu.memory_space<semaphore_mem>>
      %dma_start3A_93 = arith.constant 0 : i32
      %dma_start3A_94 = tpu.memref_slice %arg6[%add3A, %dma_start3A_93] : memref<32x16xf32, #tpu.memory_space<hbm>> -> memref<1x16xf32, #tpu.memory_space<hbm>>
      %dma_start3A_95 = tpu.memref_squeeze %dma_start3A_94 : memref<1x16xf32, #tpu.memory_space<hbm>> -> memref<16xf32, #tpu.memory_space<hbm>>
      %dma_start3A_96 = arith.constant 0 : i32
      %dma_start3A_97 = tpu.memref_slice %arg6[%add3A, %dma_start3A_96] : memref<32x16xf32, #tpu.memory_space<hbm>> -> memref<1x16xf32, #tpu.memory_space<hbm>>
      %dma_start3A_98 = tpu.memref_squeeze %dma_start3A_97 : memref<1x16xf32, #tpu.memory_space<hbm>> -> memref<16xf32, #tpu.memory_space<hbm>>
      tpu.enqueue_dma source(%arg11 : memref<16xf32, #tpu.memory_space<vmem>>) target(%dma_start3A_98 : memref<16xf32, #tpu.memory_space<hbm>>) target_semaphore(%run_scoped3A : memref<!tpu.dma_semaphore, #tpu.memory_space<semaphore_mem>>)
      %dma_wait3A = arith.constant 0 : i32
      %dma_wait3A_99 = tpu.memref_slice %arg6[%add3A, %dma_wait3A] : memref<32x16xf32, #tpu.memory_space<hbm>> -> memref<1x16xf32, #tpu.memory_space<hbm>>
      %dma_wait3A_100 = tpu.memref_squeeze %dma_wait3A_99 : memref<1x16xf32, #tpu.memory_space<hbm>> -> memref<16xf32, #tpu.memory_space<hbm>>
      %dma_wait3A_101 = arith.constant 0 : i32
      %dma_wait3A_102 = tpu.memref_slice %arg6[%add3A, %dma_wait3A_101] : memref<32x16xf32, #tpu.memory_space<hbm>> -> memref<1x16xf32, #tpu.memory_space<hbm>>
      %dma_wait3A_103 = tpu.memref_squeeze %dma_wait3A_102 : memref<1x16xf32, #tpu.memory_space<hbm>> -> memref<16xf32, #tpu.memory_space<hbm>>
      tpu.wait_dma2 semaphore(%run_scoped3A : memref<!tpu.dma_semaphore, #tpu.memory_space<semaphore_mem>>) src(%arg11 : memref<16xf32, #tpu.memory_space<vmem>>) dst(%dma_wait3A_103 : memref<16xf32, #tpu.memory_space<hbm>>)
      tpu.yield
    }) : () -> ()
    return
  }
}

</mosaic_0001>

<sc_bundles>
// kernel: _run.3.cloned.1.call-start
scs
__scs_entry_jumppad:
0x0: {  	(pc) =	sbr.rel $0x88, $3  }
0x1: {  	(tag) =	ssettag $0x0;
	lr =	simm.s32 $0x1  }
0x2: {  	[smem:$0x3F9D] =	sst lr;
	_ =	strace $0xD0000000  }
0x3: {  	_ = 	snop  }
0x4: {  	_ = 	snop  }
0x5: {  	_ = 	snop  }
0x6: {  	_ = 	snop  }
0x7: {  	_ = 	snop  }
__scs_overlays_trampoline_lowered:
0x8: {  	[smem:$0x3FAC] =	sst s0  }
0x9: {  	[smem:$0x3FAD] =	sst s1  }
0xa: {  	[smem:$0x3FAE] =	sst s2  }
0xb: {  	[smem:$0x3FAF] =	sst s3  }
0xc: {  	[smem:$0x3FB0] =	sst s4  }
0xd: {  	[smem:$0x3FB1] =	sst s5  }
0xe: {  	[smem:$0x3FB2] =	sst s6  }
0xf: {  	[smem:$0x3FB3] =	sst s7  }
0x10: {  	[smem:$0x3FB4] =	sst s8  }
0x11: {  	[smem:$0x3FB5] =	sst s9;
	s0 =	simm.s32 @!p0 $0x0  }
0x12: {  	s1 =	sld [smem:$0x3F9B];
	s0 =	simm.s32 @p0 $0x1  }
0x13: {  	[smem:$0x3FB6] =	sst s0;
	s0 =	simm.s32 @!p1 $0x0  }
0x14: {  	s2 =	sld [smem:$0x3F9A];
	s0 =	simm.s32 @p1 $0x1  }
0x15: {  	[smem:$0x3FB7] =	sst s0;
	s0 =	simm.s32 @!p2 $0x0  }
0x16: {  	s3 =	sld [smem:$0x3FDB];
	s0 =	simm.s32 @p2 $0x1  }
0x17: {  	s4 =	simm.s32 $0x1BF5;
	[smem:$0x3FB9] =	sst s0  }
0x18: {  	s0 =	sld [smem:$0x3F9C];
	_ =	swait.ge [sflag:s4], $0x0  }
0x19: {  	s7 =	sld [smem:$0x3F9D]  }
0x1a: {  	s8 =	sadd.s32 $0xFFFFE003, lr  }
0x1b: {  	s9 =	sadd.s32 $0xFFFFFEF7, lr;
	s5 =	simm.s32 $0xFFFFFFFF;
	p2 =	slt.u32 s8, $0xFFFFF086  }
0x1c: {  	p1 =	slt.u32 s9, $0xF7A;
	s5 =	simm.s32 @!p2 $0x0  }
0x1d: {  	s5 =	simm.s32 @p1 $0x1;
	p0 =	seq.s32 s7, s2  }
0x1e: {  	s7 =	smul.u32 @!p0 $0xF7A, s2;
	p2 =	seq.s32 @!p0 s5, $0x0  }
0x1f: {  	s9 =	smul.u32 $0xF7A, s1;
	s8 =	simm.s32 @!p0 $0x1BF5;
	p2 =	por !p2, p0  }
0x20: {  	[sflag:s8] =	ssyncset.s32 @!p0 $0xFFFFF086;
	s6 =	sadd.s32 @!p0 s3, s7;
	s7 =	simm.s32 @!p0 $0x108  }
0x21: {  	s3 =	sadd.s32 s3, s9;
	s6 =	sadd.s32 @!p0 $0x88, s6;
	s7 =	simm.s32 @p2 $0x1082  }
0x22: {  	[simem:s7], [sflag:s8] =	dma.local @!p0 [hbm:s6], $0xF7A  }
0x23: {  	s9 =	sor.u32 $0xD0000000, s2;
	s6 =	simm.s32 $0x108;
	_ =	swait.ge @!p0 [sflag:s8], $0x0  }
0x24: {  	s3 =	sadd.s32 $0x88, s3;
	s6 =	simm.s32 @!p1 $0x1082;
	[sflag:s4] =	ssyncset.s32 $0xFFFFF086  }
0x25: {  	[simem:s6], [sflag:s4] =	dma.local [hbm:s3], $0xF7A  }
0x26: {  	[smem:$0x3F9D] =	sst s1;
	(tag) =	ssettag s2;
	_ =	strace s9  }
0x27: {  	s1 =	sld [smem:$0x3FAD]  }
0x28: {  	s2 =	sld [smem:$0x3FAE]  }
0x29: {  	s4 =	sld [smem:$0x3FB0]  }
0x2a: {  	p0 =	seq.s32 s5, $0x0;
	s5 =	sld [smem:$0x3FB1]  }
0x2b: {  	s6 =	sld [smem:$0x3FB2]  }
0x2c: {  	s7 =	sld [smem:$0x3FB3]  }
0x2d: {  	s3 =	simm.s32 $0x108;
	s8 =	sld [smem:$0x3FB4]  }
0x2e: {  	s3 =	simm.s32 @!p0 $0x1082;
	s9 =	sld [smem:$0x3FB5]  }
0x2f: {  	lr =	sadd.s32 s0, s3;
	s0 =	sld [smem:$0x3FAC]  }
0x30: {  	s3 =	sld [smem:$0x3FAF]  }
0x31: {  	[smem:$0x3FB8] =	sst s10  }
0x32: {  	s10 =	sld [smem:$0x3FB6];
	_ =	sdelay $0x3  }
0x33: {  	p0 =	seq.s32 s10, $0x1;
	s10 =	sld [smem:$0x3FB8];
	_ =	sdelay $0x3  }
0x34: {  	[smem:$0x3FB8] =	sst s10  }
0x35: {  	s10 =	sld [smem:$0x3FB7];
	_ =	sdelay $0x3  }
0x36: {  	p1 =	seq.s32 s10, $0x1;
	s10 =	sld [smem:$0x3FB8];
	_ =	sdelay $0x3  }
0x37: {  	[smem:$0x3FB8] =	sst s10  }
0x38: {  	s10 =	sld [smem:$0x3FB9]  }
0x39: {  	_ = 	snop;
	(pc) =	sbr.ind lr, $3  }
0x3a: {  	_ = 	snop  }
0x3b: {  	_ = 	snop  }
0x3c: {  	p2 =	seq.s32 s10, $0x1;
	s10 =	sld [smem:$0x3FB8]  }
0x3d: {  	_ =	shalt  }
0x3e: {  	_ =	shalt  }
0x3f: {  	_ =	shalt  }
0x40: {  	_ =	shalt  }
0x41: {  	_ =	shalt  }
0x42: {  	_ =	shalt  }
0x43: {  	_ =	shalt  }
0x44: {  	_ =	shalt  }
0x45: {  	_ =	shalt  }
0x46: {  	_ =	shalt  }
0x47: {  	_ =	shalt  }
0x48: {  	_ =	shalt  }
0x49: {  	_ =	shalt  }
0x4a: {  	_ =	shalt  }
0x4b: {  	_ =	shalt  }
0x4c: {  	_ =	shalt  }
0x4d: {  	_ =	shalt  }
0x4e: {  	_ =	shalt  }
0x4f: {  	_ =	shalt  }
0x50: {  	_ =	shalt  }
0x51: {  	_ =	shalt  }
0x52: {  	_ =	shalt  }
0x53: {  	_ =	shalt  }
0x54: {  	_ =	shalt  }
0x55: {  	_ =	shalt  }
0x56: {  	_ =	shalt  }
0x57: {  	_ =	shalt  }
0x58: {  	_ =	shalt  }
0x59: {  	_ =	shalt  }
0x5a: {  	_ =	shalt  }
0x5b: {  	_ =	shalt  }
0x5c: {  	_ =	shalt  }
0x5d: {  	_ =	shalt  }
0x5e: {  	_ =	shalt  }
0x5f: {  	_ =	shalt  }
0x60: {  	_ =	shalt  }
0x61: {  	_ =	shalt  }
0x62: {  	_ =	shalt  }
0x63: {  	_ =	shalt  }
0x64: {  	_ =	shalt  }
0x65: {  	_ =	shalt  }
0x66: {  	_ =	shalt  }
0x67: {  	_ =	shalt  }
0x68: {  	_ =	shalt  }
0x69: {  	_ =	shalt  }
0x6a: {  	_ =	shalt  }
0x6b: {  	_ =	shalt  }
0x6c: {  	_ =	shalt  }
0x6d: {  	_ =	shalt  }
0x6e: {  	_ =	shalt  }
0x6f: {  	_ =	shalt  }
0x70: {  	_ =	shalt  }
0x71: {  	_ =	shalt  }
0x72: {  	_ =	shalt  }
0x73: {  	_ =	shalt  }
0x74: {  	_ =	shalt  }
0x75: {  	_ =	shalt  }
0x76: {  	_ =	shalt  }
0x77: {  	_ =	shalt  }
0x78: {  	_ =	shalt  }
0x79: {  	_ =	shalt  }
0x7a: {  	_ =	shalt  }
0x7b: {  	_ =	shalt  }
0x7c: {  	_ =	shalt  }
0x7d: {  	_ =	shalt  }
0x7e: {  	_ =	shalt  }
0x7f: {  	_ =	shalt  }
0x80: {  	_ =	shalt  }
0x81: {  	_ =	shalt  }
0x82: {  	_ =	shalt  }
0x83: {  	_ =	shalt  }
0x84: {  	_ =	shalt  }
0x85: {  	_ =	shalt  }
0x86: {  	_ =	shalt  }
0x87: {  	_ =	shalt  }
.Lfunc_end0:
.L_simem_size_0:
called_computation_lowered:
.L_overlay_start_0:
0x88: {  	s2 =	sld [smem:$0x3FD9]  }
0x89: {  	s3 =	sld [smem:$0x3FFE];
	_ =	sdelay $0x1  }
0x8a: {  	s1 =	srdreg.scid  }
0x8b: {  	s0 =	sand.u32 $0x1, s1  }
0x8c: {  	s17 =	sshll.u32 s0, $0xA;
	s2 =	sadd.s32 s3, s2  }
0x8d: {  	s2 =	sadd.s32 s2, s17  }
0x8e: {  	[smem:$0x3FC4] =	sst s2  }
0x8f: {  	_ = 	snop  }
0x90: {  	s2 =	sld [smem:$0x3FC9]  }
0x91: {  	s18 =	sld [smem:$0x3FC8]  }
0x92: {  	s4 =	sld [smem:$0x3FC7]  }
0x93: {  	s5 =	sld [smem:$0x3FC6];
	(tm) =	ssettm $0x1  }
0x94: {  	s6 =	sld [smem:$0x3FFB];
	_ =	sdelay $0x3  }
0x95: {  	_ =	strace s6  }
0x96: {  	s6 =	sld [smem:$0x3FFC];
	_ =	sdelay $0x3  }
0x97: {  	_ =	strace s6  }
0x98: {  	s6 =	sld [smem:$0x3FFD];
	_ =	sdelay $0x3  }
0x99: {  	_ =	strace s6  }
0x9a: {  	_ =	strace $0x8FFFFFFF  }
0x9b: {  	s19 =	sld [smem:$0x3FDB];
	_ =	sdelay $0x1  }
0x9c: {  	s7 =	simm.s32 $_scs_section_size  }
0x9d: {  	s8 =	simm.s32 $_size__tile_overlayer_lowered;
	s9 =	simm.s32 $_tile_overlayer_lowered  }
0x9e: {  	s22 =	simm.s32 $0x1BFF;
	s21 =	sshll.u32 s9, $0x1;
	s6 =	sadd.s32 s7, s19  }
0x9f: {  	s10 =	simm.s32 $0x0;
	s20 =	sshll.u32 s8, $0x1;
	s8 =	sadd.s32 s21, s6  }
0xa0: {  	[timem:s10], [sflag:s22] =	dma.local [hbm:s8], s20  }
0xa1: {  	_ =	swait.ge [sflag:s22], s20  }
0xa2: {  	s7 =	ssub.s32 $0x0, s20;
	[sflag:s22] =	ssyncset.done $0x0  }
0xa3: {  	[sflag:s22] =	ssyncadd.s32 s7;
	_ =	sdelay $0x1  }
0xa4: {  	s23 =	simm.s32 $0x1B8B  }
0xa5: {  	_ =	swait.ge [sflag:s23], $0x1  }
0xa6: {  	[sflag:s23] =	ssyncset.done $0x0  }
0xa7: {  	s25 =	simm.s32 $0x1B8E;
	s24 =	sld [smem:$0x3FFE];
	[sflag:s23] =	ssyncadd.s32 $0xFFFFFFFF  }
0xa8: {  	s26 =	simm.s32 $execute0_lowered;
	[smem:$0x3FD2] =	sst s25  }
0xa9: {  	s8 =	sshll.u32 s26, $0x1;
	_ =	strace $0x80000046;
	[dreg:$0x1] =	wrdreg $0xFFFFFFFF  }
0xaa: {  	s28 =	simm.s32 $_size_execute0_lowered;
	s6 =	sadd.s32 s6, s8;
	[dreg:$0x0] =	wrdreg $0x0  }
0xab: {  	s8 =	sshll.u32 s28, $0x1;
	[dreg:$0x2] =	wrdreg s6  }
0xac: {  	[dreg:$0x3] =	wrdreg s8  }
0xad: {  	[dreg:$0x4] =	wrdreg $0xC0  }
0xae: {  	_ =	task [dreg:s10], $0x5FFFF  }
0xaf: {  	[dreg:$0x1] =	wrdreg $0xFFFFFFFF  }
0xb0: {  	[dreg:$0x0] =	wrdreg $0x60  }
0xb1: {  	[dreg:$0x2] =	wrdreg s2  }
0xb2: {  	[dreg:$0x3] =	wrdreg s18  }
0xb3: {  	[dreg:$0x4] =	wrdreg s4  }
0xb4: {  	[dreg:$0x5] =	wrdreg s5  }
0xb5: {  	[dreg:$0x6] =	wrdreg s24  }
0xb6: {  	[dreg:$0x7] =	wrdreg $0x9  }
0xb7: {  	_ =	task.clear_ibuf [dreg:s10], $0x8FFFF;
	_ =	strace $0x90000046  }
0xb8: {  	s29 =	simm.s32 $0x9;
	_ =	strace $0x80000048  }
0xb9: {  	_ =	swait.ge [sflag:s29], $0x1  }
0xba: {  	[sflag:s29] =	ssyncadd.s32 $0xFFFFFFFF  }
0xbb: {  	_ =	strace $0x90000048  }
0xbc: {  	_ =	sfence  }
0xbd: {  	s30 =	sld [smem:$0x0];
	_ =	sdelay $0x2  }
0xbe: {  	s31 =	sshll.u32 s1, $0xD;
	s1 =	sshrl.u32 s1, $0x2  }
0xbf: {  	s3 =	sand.u32 $0x4000, s31;
	s1 =	sadd.s32 s1, s30  }
0xc0: {  	s0 =	sor.u32 s3, s0;
	s1 =	sshll.u32 s1, $0x11  }
0xc1: {  	s0 =	sor.u32 s1, s0  }
0xc2: {  	s0 =	sadd.s32 $0x8F2B, s0  }
0xc3: {  	[sflag:s0] =	ssyncadd.remote.s32 $0x1  }
0xc4: {  	_ =	sfence.sel $0xFFFF  }
0xc5: {  	[dreg:$0x0] =	wrdreg $0xFFFFFFFF;
	(pc) =	sbr.abs _section_cstart, $3  }
0xc6: {  	[dreg:$0x1] =	wrdreg $0xFFFFFFFF  }
0xc7: {  	_ =	task.clear_ibuf [dreg:s10], $0x2FFFF;
	_ =	strace $0x9FFFFFFF  }
0xc8: {  	(tm) =	ssettm $0x7FFFFFFF  }
0xc9: {  	_ =	shalt  }
tec
execute0_lowered:
.L_overlay_start_1:
0x0: {  	(tag) =	ssettag $0x1  }
0x1: {  	s7 =	rddreg [dreg:$0x0]  }
0x2: {  	s8 =	rddreg [dreg:$0x1]  }
0x3: {  	s2 =	rddreg [dreg:$0x2]  }
0x4: {  	s3 =	rddreg [dreg:$0x3]  }
0x5: {  	s9 =	rddreg [dreg:$0x4]  }
0x6: {  	s4 =	srdreg.scid;
	s1 =	stileid.u32  }
0x7: {  	s0 =	rddreg [dreg:$0x5];
	s13 =	simm.s32 $0x80;
	s14 =	simm.s32 $0x400  }
0x8: {  	s15 =	simm.s32 $0xC400;
	s16 =	simm.s32 $0x280;
	s17 =	simm.s32 $0x4400  }
0x9: {  	s18 =	simm.s32 $0x10400;
	s19 =	simm.s32 $0x100;
	s20 =	simm.s32 $0x8400  }
0xa: {  	s21 =	simm.s32 $0x300;
	s22 =	simm.s32 $0x14400;
	s23 =	simm.s32 $0x18400  }
0xb: {  	s24 =	simm.s32 $0x0;
	s5 =	sand.u32 $0x1, s4;
	s6 =	sshll.u32 s1, $0x1  }
0xc: {  	s4 =	simm.s32 $0x0;
	s10 =	ssub.s32 $0x2, s5;
	s11 =	sor.u32 s5, s6  }
0xd: {  	[smem:$0x7FF] =	sst s4;
	s31 =	sshrl.u32 s10, $0x1;
	s12 =	sshll.u32 s11, $0x6  }
0xe: {  	_ =	strace $0x80000047;
	s11 =	sshll.u32 s11, $0x4;
	s10 =	ssub.s32 s10, s31  }
0xf: {  	s5 =	sadd.s32 s7, s12;
	s6 =	sadd.s32 s8, s12;
	s12 =	sor.u32 $0x10, s12  }
0x10: {  	s9 =	sadd.s32 s9, s11;
	s11 =	simm.s32 $0x4;
	s7 =	sadd.s32 s7, s12  }
0x11: {  	s8 =	sadd.s32 s8, s12;
	s10 =	smax.u32 s10, $0x1;
	s12 =	simm.s32 $0x200  }
.LBB2_1:
0x12: {  	[tilespmem:s4], [sflag:$0x4] =	stream.linear.gather [hbm4b:s5+s4], $0x80, $0x38;
	[tilespmem:$0x18480] =	vst v63  }
0x13: {  	_ =	swait.ge [sflag:s11], $0x80  }
0x14: {  	[sflag:s11] =	ssyncset.done $0x0  }
0x15: {  	[sflag:s11] =	ssyncadd.s32 $0xFFFFFF80  }
0x16: {  	[tilespmem:s12], [sflag:$0x4] =	stream.linear.gather [hbm4b:s6+s4], $0x80, $0x38;
	[tilespmem:$0x18480] =	vst v63  }
0x17: {  	_ =	swait.ge [sflag:s11], $0x80  }
0x18: {  	[sflag:s11] =	ssyncset.done $0x0  }
0x19: {  	[sflag:s11] =	ssyncadd.s32 $0xFFFFFF80  }
0x1a: {  	[tilespmem:s14], [sflag:$0x1] =	stream.indirect.gather [hbm4b:s2+s13], $0x80, s4, s13, $0xb8;
	[tilespmem:$0x18480] =	vst v63  }
0x1b: {  	_ = 	snop  }
0x1c: {  	[tilespmem:s15], [sflag:$0x1] =	stream.indirect.gather [hbm4b:s3+s13], $0x80, s12, s13, $0xb8;
	[tilespmem:$0x18480] =	vst v63  }
0x1d: {  	_ = 	snop  }
0x1e: {  	[tilespmem:s13], [sflag:$0x4] =	stream.linear.gather [hbm4b:s7+s4], $0x180, $0x38;
	[tilespmem:$0x18480] =	vst v63  }
0x1f: {  	_ =	swait.ge [sflag:s11], $0x180  }
0x20: {  	[sflag:s11] =	ssyncset.done $0x0  }
0x21: {  	[sflag:s11] =	ssyncadd.s32 $0xFFFFFE80  }
0x22: {  	[tilespmem:s16], [sflag:$0x4] =	stream.linear.gather [hbm4b:s8+s4], $0x180, $0x38;
	[tilespmem:$0x18480] =	vst v63  }
0x23: {  	_ =	swait.ge [sflag:s11], $0x180  }
0x24: {  	[sflag:s11] =	ssyncset.done $0x0  }
0x25: {  	[sflag:s11] =	ssyncadd.s32 $0xFFFFFE80  }
0x26: {  	[tilespmem:s17], [sflag:$0x2] =	stream.indirect.gather [hbm4b:s2+s13], $0x80, s13, s13, $0xb8;
	[tilespmem:$0x18480] =	vst v63  }
0x27: {  	_ = 	snop  }
0x28: {  	[tilespmem:s18], [sflag:$0x2] =	stream.indirect.gather [hbm4b:s3+s13], $0x80, s16, s13, $0xb8;
	[tilespmem:$0x18480] =	vst v63  }
0x29: {  	_ = 	snop  }
0x2a: {  	[tilespmem:s20], [sflag:$0x3] =	stream.indirect.gather [hbm4b:s2+s13], $0x80, s19, s13, $0xb8;
	[tilespmem:$0x18480] =	vst v63  }
0x2b: {  	s25 =	simm.s32 $0x0  }
0x2c: {  	v0 =	vimm.f32 $0.0e+00;
	[tilespmem:s22], [sflag:$0x3] =	stream.indirect.gather [hbm4b:s3+s13], $0x80, s21, s13, $0xb8;
	[tilespmem:$0x18480] =	vst v63  }
.LBB2_2:
0x2d: {  	p0 =	seq.s32 s25, $0x3;
	s26 =	smov.u32 s25  }
0x2e: {  	s26 =	simm.s32 @p0 $0x0  }
0x2f: {  	s28 =	sshll.u32 s26, $0x10  }
0x30: {  	s26 =	sadd.s32 $0x1, s26;
	s28 =	sshra.s32 s28, $0x2  }
0x31: {  	_ =	swait.ge [sflag:s26], $0x4000;
	s29 =	sor.u32 $0x4F0, s28  }
0x32: {  	[sflag:s26] =	ssyncset.done $0x0;
	s28 =	sadd.s32 $0xC4F0, s28;
	v1 =	vmov s29  }
0x33: {  	[sflag:s26] =	ssyncadd.s32 $0xFFFFC000;
	v2 =	vmov s28  }
0x34: {  	_ =	swait.ge [sflag:s26], $0x4000  }
0x35: {  	[sflag:s26] =	ssyncset.done $0x0  }
0x36: {  	[sflag:s26] =	ssyncadd.s32 $0xFFFFC000;
	s26 =	simm.s32 $0x0  }
0x37: {  	v5 =	vld.idx.msk [tilespmem:v1+s26+$0xFFFFFF90 ss:$0x1], $0xffff  }
0x38: {  	v6 =	vld.idx.msk [tilespmem:v2+s26+$0xFFFFFF90 ss:$0x1], $0xffff  }
0x39: {  	v7 =	vld.idx.msk [tilespmem:v1+s26+$0xFFFFFFA0 ss:$0x1], $0xffff  }
0x3a: {  	v8 =	vld.idx.msk [tilespmem:v2+s26+$0xFFFFFFA0 ss:$0x1], $0xffff  }
0x3b: {  	v9 =	vld.idx.msk [tilespmem:v1+s26+$0xFFFFFFB0 ss:$0x1], $0xffff  }
0x3c: {  	v10 =	vld.idx.msk [tilespmem:v2+s26+$0xFFFFFFB0 ss:$0x1], $0xffff  }
0x3d: {  	v12 =	vld.idx.msk [tilespmem:v1+s26+$0xFFFFFFC0 ss:$0x1], $0xffff  }
0x3e: {  	v13 =	vld.idx.msk [tilespmem:v2+s26+$0xFFFFFFC0 ss:$0x1], $0xffff  }
0x3f: {  	v14 =	vld.idx.msk [tilespmem:v1+s26+$0xFFFFFFD0 ss:$0x1], $0xffff  }
0x40: {  	v16 =	vld.idx.msk [tilespmem:v2+s26+$0xFFFFFFD0 ss:$0x1], $0xffff  }
0x41: {  	v11 =	vld.idx.msk [tilespmem:v1+s26+$0xFFFFFFE0 ss:$0x1], $0xffff  }
0x42: {  	v15 =	vld.idx.msk [tilespmem:v2+s26+$0xFFFFFFE0 ss:$0x1], $0xffff  }
0x43: {  	v3 =	vld.idx.msk [tilespmem:v1+s26+$0xFFFFFFF0 ss:$0x1], $0xffff  }
0x44: {  	v4 =	vld.idx.msk [tilespmem:v2+s26+$0xFFFFFFF0 ss:$0x1], $0xffff  }
0x45: {  	v19 =	vld.idx.msk [tilespmem:v1+s26+$0xFFFFFF10 ss:$0x1], $0xffff  }
0x46: {  	v23 =	vld.idx.msk [tilespmem:v2+s26+$0xFFFFFF10 ss:$0x1], $0xffff  }
0x47: {  	v26 =	vld.idx.msk [tilespmem:v1+s26+$0xFFFFFF20 ss:$0x1], $0xffff  }
0x48: {  	v30 =	vld.idx.msk [tilespmem:v2+s26+$0xFFFFFF20 ss:$0x1], $0xffff  }
0x49: {  	v27 =	vld.idx.msk [tilespmem:v1+s26+$0xFFFFFF30 ss:$0x1], $0xffff  }
0x4a: {  	v32 =	vld.idx.msk [tilespmem:v2+s26+$0xFFFFFF30 ss:$0x1], $0xffff  }
0x4b: {  	v31 =	vld.idx.msk [tilespmem:v1+s26+$0xFFFFFF40 ss:$0x1], $0xffff  }
0x4c: {  	v33 =	vld.idx.msk [tilespmem:v2+s26+$0xFFFFFF40 ss:$0x1], $0xffff  }
0x4d: {  	v20 =	vld.idx.msk [tilespmem:v1+s26+$0xFFFFFF50 ss:$0x1], $0xffff  }
0x4e: {  	v24 =	vld.idx.msk [tilespmem:v2+s26+$0xFFFFFF50 ss:$0x1], $0xffff  }
0x4f: {  	v18 =	vld.idx.msk [tilespmem:v1+s26+$0xFFFFFF60 ss:$0x1], $0xffff;
	v35 =	vmul.f32 v6, v5  }
0x50: {  	v22 =	vld.idx.msk [tilespmem:v2+s26+$0xFFFFFF60 ss:$0x1], $0xffff;
	v34 =	vmul.f32 v8, v7;
	v29 =	vmul.f32 v10, v9  }
0x51: {  	v17 =	vld.idx.msk [tilespmem:v1+s26+$0xFFFFFF70 ss:$0x1], $0xffff;
	v28 =	vmul.f32 v13, v12;
	v13 =	vimm.f32 $0.0e+00;
	v12 =	vimm.f32 $0.0e+00  }
0x52: {  	v25 =	vld.idx.msk [tilespmem:v2+s26+$0xFFFFFF70 ss:$0x1], $0xffff;
	v10 =	vimm.f32 $0.0e+00;
	v9 =	vimm.f32 $0.0e+00;
	v8 =	vimm.f32 $0.0e+00  }
0x53: {  	s28 =	simm.s32 $0x400;
	v21 =	vld.idx.msk [tilespmem:v1+s26+$0xFFFFFF80 ss:$0x1], $0xffff;
	v7 =	vimm.f32 $0.0e+00;
	v6 =	vimm.f32 $0.0e+00;
	v5 =	vimm.f32 $0.0e+00  }
.LBB2_3:
0x54: {  	p0 =	sne.s32 s28, $0xFC00;
	v36 =	vld.idx.msk [tilespmem:v2+s26+$0xFFFFFF80 ss:$0x1], $0xffff;
	v14 =	vmul.f32 v16, v14;
	v11 =	vmul.f32 v15, v11  }
0x55: {  	v15 =	vmul.f32 v23, v19;
	v16 =	vmul.f32 v30, v26;
	v19 =	vld.idx.msk [tilespmem:v1+s26+$0x0 ss:$0x1], $0xffff  }
0x56: {  	v23 =	vmul.f32 v32, v27;
	v26 =	vmul.f32 v33, v31;
	v27 =	vld.idx.msk [tilespmem:v2+s26+$0x0 ss:$0x1], $0xffff;
	s26 =	sshra.s32 s28, $0x2  }
0x57: {  	v13 =	vadd.f32 v15, v13;
	v12 =	vadd.f32 v16, v12;
	v15 =	vmul.f32 v24, v20;
	v37 =	vld.idx.msk [tilespmem:v1+s26+$0xFFFFFF90 ss:$0x1], $0xffff  }
0x58: {  	v10 =	vadd.f32 v23, v10;
	v9 =	vadd.f32 v26, v9;
	v16 =	vmul.f32 v22, v18;
	v38 =	vld.idx.msk [tilespmem:v2+s26+$0xFFFFFF90 ss:$0x1], $0xffff  }
0x59: {  	v17 =	vmul.f32 v25, v17;
	v13 =	vadd.f32 v35, v13;
	v12 =	vadd.f32 v34, v12;
	v39 =	vld.idx.msk [tilespmem:v1+s26+$0xFFFFFFA0 ss:$0x1], $0xffff  }
0x5a: {  	v10 =	vadd.f32 v29, v10;
	v9 =	vadd.f32 v28, v9;
	v18 =	vmul.f32 v36, v21;
	v34 =	vld.idx.msk [tilespmem:v2+s26+$0xFFFFFFA0 ss:$0x1], $0xffff  }
0x5b: {  	v3 =	vmul.f32 v4, v3;
	v8 =	vadd.f32 v15, v8;
	v7 =	vadd.f32 v16, v7;
	v28 =	vld.idx.msk [tilespmem:v1+s26+$0xFFFFFFB0 ss:$0x1], $0xffff  }
0x5c: {  	v4 =	vadd.f32 v17, v6;
	v5 =	vadd.f32 v18, v5;
	v15 =	vmul.f32 v27, v19;
	v29 =	vld.idx.msk [tilespmem:v2+s26+$0xFFFFFFB0 ss:$0x1], $0xffff  }
0x5d: {  	v8 =	vadd.f32 v14, v8;
	v7 =	vadd.f32 v11, v7;
	v36 =	vld.idx.msk [tilespmem:v1+s26+$0xFFFFFFC0 ss:$0x1], $0xffff  }
0x5e: {  	v6 =	vadd.f32 v3, v4;
	v5 =	vadd.f32 v15, v5;
	v40 =	vld.idx.msk [tilespmem:v2+s26+$0xFFFFFFC0 ss:$0x1], $0xffff  }
0x5f: {  	v14 =	vld.idx.msk [tilespmem:v1+s26+$0xFFFFFFD0 ss:$0x1], $0xffff  }
0x60: {  	v16 =	vld.idx.msk [tilespmem:v2+s26+$0xFFFFFFD0 ss:$0x1], $0xffff  }
0x61: {  	v11 =	vld.idx.msk [tilespmem:v1+s26+$0xFFFFFFE0 ss:$0x1], $0xffff  }
0x62: {  	v15 =	vld.idx.msk [tilespmem:v2+s26+$0xFFFFFFE0 ss:$0x1], $0xffff  }
0x63: {  	v3 =	vld.idx.msk [tilespmem:v1+s26+$0xFFFFFFF0 ss:$0x1], $0xffff  }
0x64: {  	v4 =	vld.idx.msk [tilespmem:v2+s26+$0xFFFFFFF0 ss:$0x1], $0xffff  }
0x65: {  	v19 =	vld.idx.msk [tilespmem:v1+s26+$0xFFFFFF10 ss:$0x1], $0xffff  }
0x66: {  	v23 =	vld.idx.msk [tilespmem:v2+s26+$0xFFFFFF10 ss:$0x1], $0xffff  }
0x67: {  	v26 =	vld.idx.msk [tilespmem:v1+s26+$0xFFFFFF20 ss:$0x1], $0xffff  }
0x68: {  	v30 =	vld.idx.msk [tilespmem:v2+s26+$0xFFFFFF20 ss:$0x1], $0xffff  }
0x69: {  	v27 =	vld.idx.msk [tilespmem:v1+s26+$0xFFFFFF30 ss:$0x1], $0xffff  }
0x6a: {  	v32 =	vld.idx.msk [tilespmem:v2+s26+$0xFFFFFF30 ss:$0x1], $0xffff  }
0x6b: {  	v31 =	vld.idx.msk [tilespmem:v1+s26+$0xFFFFFF40 ss:$0x1], $0xffff  }
0x6c: {  	v33 =	vld.idx.msk [tilespmem:v2+s26+$0xFFFFFF40 ss:$0x1], $0xffff  }
0x6d: {  	v20 =	vld.idx.msk [tilespmem:v1+s26+$0xFFFFFF50 ss:$0x1], $0xffff  }
0x6e: {  	v24 =	vld.idx.msk [tilespmem:v2+s26+$0xFFFFFF50 ss:$0x1], $0xffff  }
.Ltmp0:
0x6f: {  	v18 =	vld.idx.msk [tilespmem:v1+s26+$0xFFFFFF60 ss:$0x1], $0xffff;
	(pc) =	sbr.rel @p0 .LBB2_3-.Ltmp0, $4  }
0x70: {  	v22 =	vld.idx.msk [tilespmem:v2+s26+$0xFFFFFF60 ss:$0x1], $0xffff  }
0x71: {  	v17 =	vld.idx.msk [tilespmem:v1+s26+$0xFFFFFF70 ss:$0x1], $0xffff  }
0x72: {  	v35 =	vmul.f32 v38, v37;
	v34 =	vmul.f32 v34, v39;
	v25 =	vld.idx.msk [tilespmem:v2+s26+$0xFFFFFF70 ss:$0x1], $0xffff  }
0x73: {  	s28 =	sadd.s32 $0x400, s28;
	v29 =	vmul.f32 v29, v28;
	v28 =	vmul.f32 v40, v36;
	v21 =	vld.idx.msk [tilespmem:v1+s26+$0xFFFFFF80 ss:$0x1], $0xffff  }
0x74: {  	v19 =	vmul.f32 v23, v19;
	_ =	sdelay $0x1  }
0x75: {  	v55 =	vmul.f32 v30, v26;
	v13 =	vadd.f32 v19, v13  }
0x76: {  	v56 =	vmul.f32 v32, v27  }
0x77: {  	v12 =	vadd.f32 v55, v12;
	v13 =	vadd.f32 v35, v13  }
0x78: {  	v57 =	vmul.f32 v33, v31;
	v10 =	vadd.f32 v56, v10  }
0x79: {  	v12 =	vadd.f32 v34, v12;
	v0 =	vadd.f32 v13, v0  }
0x7a: {  	v59 =	vmul.f32 v24, v20;
	v9 =	vadd.f32 v57, v9  }
0x7b: {  	v58 =	vld.idx.msk [tilespmem:v2+s26+$0xFFFFFF80 ss:$0x1], $0xffff;
	v10 =	vadd.f32 v29, v10;
	v0 =	vadd.f32 v12, v0  }
0x7c: {  	v60 =	vmul.f32 v22, v18;
	v8 =	vadd.f32 v59, v8  }
0x7d: {  	v14 =	vmul.f32 v16, v14;
	v1 =	vld.idx.msk [tilespmem:v1+s26+$0x0 ss:$0x1], $0xffff;
	p0 =	sne.s32 s25, $0x0;
	v9 =	vadd.f32 v28, v9;
	v0 =	vadd.f32 v10, v0  }
0x7e: {  	v2 =	vld.idx.msk [tilespmem:v2+s26+$0x0 ss:$0x1], $0xffff;
	s26 =	simm.s32 @!p0 $0x80;
	s28 =	simm.s32 @!p0 $0x180;
	s29 =	simm.s32 @!p0 $0x400;
	v61 =	vmul.f32 v25, v17;
	v7 =	vadd.f32 v60, v7  }
0x7f: {  	v11 =	vmul.f32 v15, v11;
	[tilespmem:s29], [sflag:$0x1] =	stream.indirect.gather @!p0 [hbm4b:s2+s26], $0x80, s28, s26, $0xb8;
	v8 =	vadd.f32 v14, v8;
	v0 =	vadd.f32 v9, v0;
	[tilespmem:$0x18480] =	vst v63  }
0x80: {  	s25 =	sadd.s32 $0x1, s25;
	s28 =	simm.s32 @!p0 $0x380;
	s29 =	simm.s32 @!p0 $0xC400;
	v62 =	vmul.f32 v58, v21;
	v6 =	vadd.f32 v61, v6  }
0x81: {  	v3 =	vmul.f32 v4, v3;
	[tilespmem:s29], [sflag:$0x1] =	stream.indirect.gather @!p0 [hbm4b:s3+s26], $0x80, s28, s26, $0xb8;
	v63 =	vadd.f32 v11, v7;
	v0 =	vadd.f32 v8, v0;
	[tilespmem:$0x18480] =	vst v63  }
0x82: {  	p0 =	sne.s32 s25, $0x4;
	v5 =	vadd.f32 v62, v5  }
.Ltmp1:
0x83: {  	v1 =	vmul.f32 v2, v1;
	v2 =	vadd.f32 v3, v6;
	v0 =	vadd.f32 v63, v0;
	(pc) =	sbr.rel @p0 .LBB2_2-.Ltmp1, $3  }
0x84: {  	_ = 	snop  }
0x85: {  	v1 =	vadd.f32 v1, v5;
	v0 =	vadd.f32 v2, v0;
	_ =	sdelay $0x1  }
0x86: {  	v0 =	vadd.f32 v1, v0  }
0x87: {  	s24 =	sadd.s32 $0x1, s24  }
0x88: {  	p0 =	sne.s32 s24, s10  }
.Ltmp2:
0x89: {  	[tilespmem:$0x18400] =	vst v0;
	(pc) =	sbr.rel @p0 .LBB2_1-.Ltmp2, $4  }
0x8a: {  	[hbm4b:s9+s4] =	stream.linear.scatter [tilespmem:s23], [sflag:$0x4], $0x80, $0x38;
	[tilespmem:$0x18480] =	vst v63  }
0x8b: {  	_ =	swait.ge [sflag:s11], $0x80  }
0x8c: {  	[sflag:s11] =	ssyncset.done $0x0  }
0x8d: {  	[sflag:s11] =	ssyncadd.s32 $0xFFFFFF80  }
0x8e: {  	_ =	sfence.sel $0x180000  }
0x8f: {  	[bflag:$0x0] =	sbarrier.arrive $0xFFFF  }
0x90: {  	p0 =	sne.s32 s1, $0x0;
	_ =	strace $0x90000047  }
0x91: {  	s0 =	sadd.s32 @!p0 $0x100000, s0;
	[bflag:$0x2] =	sbarrier.arrive $0xFFFF  }
0x92: {  	[sflag:s0] =	ssyncadd.tile.s32 @!p0 $0x1;
	_ =	shalt  }
.Lfunc_end2:
_tile_overlayer_lowered:
.L_overlay_start_2:
0x93: {  	(tag) =	ssettag $0x2  }
0x94: {  	s0 =	rddreg [dreg:$0x0];
	s2 =	stileid.u32  }
0x95: {  	s1 =	rddreg [dreg:$0x1];
	p0 =	sne.s32 s2, $0x0  }
0x96: {  	s3 =	rddreg [dreg:$0x2];
	[bflag:$0x3] =	sbarrier.arrive $0xFFFF;
	s2 =	simm.s32 @!p0 $0x1C04  }
0x97: {  	[timem:s3], [sflag:s2] =	dma.local @!p0 [hbm:s0], s1  }
0x98: {  	s0 =	simm.s32 @!p0 $0x4  }
0x99: {  	_ =	swait.ge @!p0 [sflag:s0], s1  }
0x9a: {  	s1 =	ssub.s32 @!p0 $0x0, s1;
	[sflag:s0] =	ssyncset.done @!p0 $0x0  }
0x9b: {  	[sflag:s0] =	ssyncadd.s32 @!p0 s1  }
0x9c: {  	[bflag:$0x3] =	sbarrier.arrive $0xFFFF  }
0x9d: {  	_ =	shalt  }

</sc_bundles>
